<compile_context>
chip_gen: v7x
topology: tpu7x:2x2x1
jax: 0.10.2.dev20260603
libtpu: 0.0.44.dev20260713+nightly
codegen_flags: <defaults>
</compile_context>

<pallas_src>
import functools
import math

import jax
import jax.numpy as jnp
from jax import lax
from jax.experimental import pallas as pl
from jax.experimental.pallas import tpu as pltpu
from jax.experimental.pallas import tpu_sc as plsc

N_NODES = 10000
K = 27
E_PER_K = 12000
E = K * E_PER_K
D = 128

SCALE = math.sqrt(2.0) / math.sqrt(float(K * D))

NC = 2
NS = 16
NW = NC * NS
B = 128
PH = 2
ACC_ROWS = 10240
ROWS_PER_TILE = ACC_ROWS // NS

K_A = 14
K_B = K - K_A
E_A = K_A * E_PER_K
E_B = K_B * E_PER_K


def _z_body(x_ref, w_ref, z_ref):
    z_ref[0] = jnp.dot(x_ref[...], w_ref[0] * SCALE,
                       preferred_element_type=jnp.float32)


def _compute_z(x, Wc, kk):
    return pl.pallas_call(
        _z_body,
        grid=(kk,),
        in_specs=[
            pl.BlockSpec((N_NODES, D), lambda k: (0, 0)),
            pl.BlockSpec((1, D, D), lambda k: (k, 0, 0)),
        ],
        out_specs=pl.BlockSpec((1, N_NODES, D), lambda k: (k, 0, 0)),
        out_shape=jax.ShapeDtypeStruct((kk, N_NODES, D), jnp.float32),
    )(x, Wc)


_mesh = plsc.VectorSubcoreMesh(core_axis_name="c", subcore_axis_name="s")


def _make_sc_scatter(nbp):
    nbpi = nbp + 1

    @functools.partial(
        pl.kernel,
        mesh=_mesh,
        out_type=jax.ShapeDtypeStruct((NC, ACC_ROWS, D), jnp.float32),
        scratch_types=[
            pltpu.VMEM((nbpi, B), jnp.int32),
            pltpu.VMEM((nbp, B), jnp.int32),
            pltpu.VMEM((B, D), jnp.float32),
            pltpu.VMEM((B, D), jnp.float32),
            pltpu.VMEM_SHARED((ACC_ROWS, D), jnp.float32),
            pltpu.SemaphoreType.DMA,
            pltpu.SemaphoreType.DMA,
        ],
    )
    def _sc_scatter(z_hbm, gidx_hbm, dst_hbm, out_hbm, idx_v, dst_v, rows0,
                    rows1, acc_sh, sem0, sem1):
        c = lax.axis_index("c")
        s = lax.axis_index("s")
        wid = c * NS + s

        pltpu.async_copy(gidx_hbm.at[wid, 0], idx_v, sem1)
        pltpu.async_copy(dst_hbm.at[wid, 0], dst_v, sem1)

        def _zero_row(r, carry):
            for cc in range(D // 16):
                rows0[r, pl.ds(cc * 16, 16)] = jnp.zeros((16,), jnp.float32)
            return carry

        lax.fori_loop(0, B, _zero_row, 0)
        for i in range(ROWS_PER_TILE // B):
            pltpu.async_copy(
                rows0, acc_sh.at[pl.ds(s * ROWS_PER_TILE + i * B, B)], sem0)
        for i in range(ROWS_PER_TILE // B):
            pltpu.make_async_copy(
                rows0, acc_sh.at[pl.ds(s * ROWS_PER_TILE + i * B, B)],
                sem0).wait()
        pltpu.make_async_copy(gidx_hbm.at[wid, 0], idx_v, sem1).wait()
        pltpu.make_async_copy(dst_hbm.at[wid, 0], dst_v, sem1).wait()
        plsc.subcore_barrier()

        def _fire(j, buf, sem):
            pltpu.async_copy(z_hbm.at[idx_v.at[j]], buf, sem)

        def _wait(j, buf, sem):
            pltpu.make_async_copy(z_hbm.at[idx_v.at[j]], buf, sem).wait()

        def _scat(j, buf):
            pltpu.sync_copy(buf, acc_sh.at[dst_v.at[j]], add=True)

        for p in range(PH):
            if p > 0:
                pltpu.sync_copy(gidx_hbm.at[wid, p], idx_v)
                pltpu.sync_copy(dst_hbm.at[wid, p], dst_v)
            _fire(0, rows0, sem0)

            def _pair(g, carry):
                j = 2 * g
                _fire(j + 1, rows1, sem1)
                _wait(j, rows0, sem0)
                _scat(j, rows0)
                _fire(j + 2, rows0, sem0)
                _wait(j + 1, rows1, sem1)
                _scat(j + 1, rows1)
                return carry

            lax.fori_loop(0, nbp // 2, _pair, 0)
            if nbp % 2:
                _wait(nbp - 1, rows0, sem0)
                _scat(nbp - 1, rows0)
            else:
                _wait(nbp, rows0, sem0)
        plsc.subcore_barrier()

        pltpu.sync_copy(acc_sh.at[pl.ds(s * ROWS_PER_TILE, ROWS_PER_TILE)],
                        out_hbm.at[c, pl.ds(s * ROWS_PER_TILE, ROWS_PER_TILE)])

    return _sc_scatter


def _merge_body(pa_ref, pb_ref, b_ref, o_ref):
    o_ref[...] = (pa_ref[0] + pa_ref[1]) + (pb_ref[0] + pb_ref[1]) + b_ref[...]


def _merge(pa, pb, bias2d):
    blk = 2000
    return pl.pallas_call(
        _merge_body,
        grid=(N_NODES // blk,),
        in_specs=[
            pl.BlockSpec((NC, blk, D), lambda i: (0, i, 0)),
            pl.BlockSpec((NC, blk, D), lambda i: (0, i, 0)),
            pl.BlockSpec((1, D), lambda i: (0, 0)),
        ],
        out_specs=pl.BlockSpec((blk, D), lambda i: (i, 0)),
        out_shape=jax.ShapeDtypeStruct((N_NODES, D), jnp.float32),
    )(pa, pb, bias2d)


def _prep_indices(gidx, dst, n_edges, nbp):
    e_pad = NW * PH * nbp * B
    npad = e_pad - n_edges
    pad_g = jnp.arange(npad, dtype=jnp.int32) % N_NODES
    pad_d = N_NODES + jnp.arange(npad, dtype=jnp.int32) % (ACC_ROWS - N_NODES)
    gidx_p = jnp.concatenate([gidx, pad_g]).reshape(NW, PH, nbp, B)
    dst_p = jnp.concatenate([dst, pad_d]).reshape(NW, PH, nbp, B)
    dummy = (jnp.arange(NW * PH * B, dtype=jnp.int32)
             .reshape(NW, PH, 1, B) % N_NODES)
    gidx_p = jnp.concatenate([gidx_p, dummy], axis=2)
    return gidx_p, dst_p


_SLOT = NW * PH * B
NBP_F = -(-E // _SLOT)
_sc_scatter_full = _make_sc_scatter(NBP_F)


def _merge1_body(pa_ref, b_ref, o_ref):
    o_ref[...] = pa_ref[0] + pa_ref[1] + b_ref[...]


def _merge1(pa, bias2d):
    blk = 2000
    return pl.pallas_call(
        _merge1_body,
        grid=(N_NODES // blk,),
        in_specs=[
            pl.BlockSpec((NC, blk, D), lambda i: (0, i, 0)),
            pl.BlockSpec((1, D), lambda i: (0, 0)),
        ],
        out_specs=pl.BlockSpec((blk, D), lambda i: (i, 0)),
        out_shape=jax.ShapeDtypeStruct((N_NODES, D), jnp.float32),
    )(pa, bias2d)


def kernel(x, edge_index, W, bias):
    src = edge_index[0]
    dst = edge_index[1]
    k_of_e = jnp.arange(E, dtype=jnp.int32) // E_PER_K
    gidx = src + k_of_e * N_NODES
    ga, da = _prep_indices(gidx, dst, E, NBP_F)

    z = _compute_z(x, W, K).reshape(K * N_NODES, D)
    pa = _sc_scatter_full(z, ga, da)
    return _merge1(pa, bias.reshape(1, D))

# --- scband reference (transcript-rebuilt; emitter-appended) ---
"""Pipeline reference for scband-equalized-conv-transpose-34359738368711 (READ-ONLY COPY).

The authoritative reference and input builder live on the scoring server;
editing this copy changes nothing except your own understanding.
"""

import jax, jax.numpy as jnp
import numpy as np

N_NODES = 10000
K = 27  # kernel_size^dimension = 3^3
E_PER_K = 12000
E = K * E_PER_K
D_IN = 128
D_OUT = 128


def setup_inputs(seed: int = 0) -> dict:
    key = jax.random.key(seed)
    k1, k2, k3 = jax.random.split(key, 3)
    x = jax.random.normal(k1, (N_NODES, D_IN), dtype=jnp.float32)
    edge_index = jax.random.randint(k2, (2, E), 0, N_NODES, dtype=jnp.int32)
    # MinkowskiConvolutionTranspose kernel: one [d_in, d_out] matrix per kernel offset,
    # initialized with nn.init.normal_ per the original module.
    W = jax.random.normal(k3, (K, D_IN, D_OUT), dtype=jnp.float32)
    # has_bias=True, initialized to zeros per the original module.
    bias = jnp.zeros((D_OUT,), dtype=jnp.float32)
    return {"x": x, "edge_index": edge_index, "W": W, "bias": bias}


def reference(x, edge_index, W, bias):
    # Equalized scale: sqrt(2) / sqrt(fan_in), fan_in = prod(kernel_size) * in_channels
    K_, d_in, d_out = W.shape
    fan_in = jnp.asarray(K_ * d_in, dtype=jnp.float32)
    scale = jnp.sqrt(jnp.asarray(2.0, dtype=jnp.float32)) / jnp.sqrt(fan_in)
    y = x * scale
    # Sparse (transpose) convolution as gather -> per-offset matmul -> scatter-add.
    # Edges are grouped by kernel offset: edge block k uses weight W[k].
    src = edge_index[0].reshape(K_, -1)
    dst = edge_index[1].reshape(K_, -1)
    out = jnp.zeros((x.shape[0], d_out), dtype=x.dtype)
    for k in range(K_):
        msg = jnp.take(y, src[k], axis=0) @ W[k]
        out = out.at[dst[k]].add(msg)
    out = out + bias
    return out

if __name__ == "__main__":
    import jax
    _d = setup_inputs()
    print(jax.jit(kernel)(*tuple(_d.values())))

</pallas_src>

<mosaic_0001>
#map = affine_map<(d0, d1) -> (0, 0)>
#map1 = affine_map<(d0, d1) -> (0, 0, 0, 0)>
#map2 = affine_map<(d0, d1) -> (0, 0, 0)>
module attributes {stable_mosaic.version = 14 : i64} {
  func.func @_sc_scatter(%arg0: i32, %arg1: i32, %arg2: memref<270000x128xf32, #tpu.memory_space<hbm>>, %arg3: memref<32x2x41x128xi32, #tpu.memory_space<hbm>>, %arg4: memref<32x2x40x128xi32, #tpu.memory_space<hbm>>, %arg5: memref<2x10240x128xf32, #tpu.memory_space<hbm>>, %arg6: memref<41x128xi32, #tpu.memory_space<vmem>>, %arg7: memref<40x128xi32, #tpu.memory_space<vmem>>, %arg8: memref<128x128xf32, #tpu.memory_space<vmem>>, %arg9: memref<128x128xf32, #tpu.memory_space<vmem>>, %arg10: memref<10240x128xf32, #tpu.memory_space<vmem_shared>>, %arg11: memref<!tpu.dma_semaphore, #tpu.memory_space<semaphore_mem>>, %arg12: memref<!tpu.dma_semaphore, #tpu.memory_space<semaphore_mem>>) attributes {dimension_semantics = [#tpu.dimension_semantics<core_parallel>, #tpu.dimension_semantics<subcore_parallel>], iteration_bounds = array<i64: 2, 16>, scalar_prefetch = 0 : i64, scratch_operands = 7 : i64, tpu.core_type = #tpu.core_type<sc_vector_subcore>, window_params = [{transform_indices = #map}, {transform_indices = #map1}, {transform_indices = #map1}, {transform_indices = #map2}]} {
    %mul3A = arith.constant 16 : i32
    %mul3A_0 = arith.muli %arg0, %mul3A : i32
    %add3A = arith.addi %mul3A_0, %arg1 : i32
    %dma_start3A = arith.constant 0 : i32
    %dma_start3A_1 = arith.constant 0 : i32
    %dma_start3A_2 = arith.constant 0 : i32
    %dma_start3A_3 = tpu.memref_slice %arg3[%add3A, %dma_start3A, %dma_start3A_1, %dma_start3A_2] : memref<32x2x41x128xi32, #tpu.memory_space<hbm>> -> memref<1x1x41x128xi32, #tpu.memory_space<hbm>>
    %dma_start3A_4 = tpu.memref_squeeze %dma_start3A_3 : memref<1x1x41x128xi32, #tpu.memory_space<hbm>> -> memref<41x128xi32, #tpu.memory_space<hbm>>
    %dma_start3A_5 = arith.constant 0 : i32
    %dma_start3A_6 = arith.constant 0 : i32
    %dma_start3A_7 = tpu.memref_slice %arg3[%add3A, %dma_start3A, %dma_start3A_5, %dma_start3A_6] : memref<32x2x41x128xi32, #tpu.memory_space<hbm>> -> memref<1x1x41x128xi32, #tpu.memory_space<hbm>>
    %dma_start3A_8 = tpu.memref_squeeze %dma_start3A_7 : memref<1x1x41x128xi32, #tpu.memory_space<hbm>> -> memref<41x128xi32, #tpu.memory_space<hbm>>
    tpu.enqueue_dma source(%dma_start3A_8 : memref<41x128xi32, #tpu.memory_space<hbm>>) target(%arg6 : memref<41x128xi32, #tpu.memory_space<vmem>>) target_semaphore(%arg12 : memref<!tpu.dma_semaphore, #tpu.memory_space<semaphore_mem>>)
    %dma_start3A_9 = arith.constant 0 : i32
    %dma_start3A_10 = arith.constant 0 : i32
    %dma_start3A_11 = arith.constant 0 : i32
    %dma_start3A_12 = tpu.memref_slice %arg4[%add3A, %dma_start3A_9, %dma_start3A_10, %dma_start3A_11] : memref<32x2x40x128xi32, #tpu.memory_space<hbm>> -> memref<1x1x40x128xi32, #tpu.memory_space<hbm>>
    %dma_start3A_13 = tpu.memref_squeeze %dma_start3A_12 : memref<1x1x40x128xi32, #tpu.memory_space<hbm>> -> memref<40x128xi32, #tpu.memory_space<hbm>>
    %dma_start3A_14 = arith.constant 0 : i32
    %dma_start3A_15 = arith.constant 0 : i32
    %dma_start3A_16 = tpu.memref_slice %arg4[%add3A, %dma_start3A_9, %dma_start3A_14, %dma_start3A_15] : memref<32x2x40x128xi32, #tpu.memory_space<hbm>> -> memref<1x1x40x128xi32, #tpu.memory_space<hbm>>
    %dma_start3A_17 = tpu.memref_squeeze %dma_start3A_16 : memref<1x1x40x128xi32, #tpu.memory_space<hbm>> -> memref<40x128xi32, #tpu.memory_space<hbm>>
    tpu.enqueue_dma source(%dma_start3A_17 : memref<40x128xi32, #tpu.memory_space<hbm>>) target(%arg7 : memref<40x128xi32, #tpu.memory_space<vmem>>) target_semaphore(%arg12 : memref<!tpu.dma_semaphore, #tpu.memory_space<semaphore_mem>>)
    %scan3A = arith.constant 0 : i32
    %scan3A_18 = arith.constant 0 : i32
    %scan3A_19 = arith.constant 128 : i32
    %scan3A_20 = arith.addi %scan3A_18, %scan3A_19 : i32
    %scan3A_21 = arith.constant 1 : i32
    scf.for %scan3A_166 = %scan3A_18 to %scan3A_20 step %scan3A_21  : i32 {
      %broadcast_in_dim3A = arith.constant 0.000000e+00 : f32
      %broadcast_in_dim3A_167 = vector.broadcast %broadcast_in_dim3A : f32 to vector<16xf32>
      %swap3A = arith.index_cast %scan3A_166 : i32 to index
      %swap3A_168 = arith.constant 0 : index
      %swap3A_169 = tpu.vector_load %arg8[%swap3A, %swap3A_168] {strides = array<i32>} : memref<128x128xf32, #tpu.memory_space<vmem>>, vector<1x16xf32>,
      %swap3A_170 = vector.shape_cast %swap3A_169 : vector<1x16xf32> to vector<16xf32>
      %swap3A_171 = vector.shape_cast %broadcast_in_dim3A_167 : vector<16xf32> to vector<1x16xf32>
      tpu.vector_store %arg8[%swap3A, %swap3A_168], %swap3A_171 {strides = array<i32>} : memref<128x128xf32, #tpu.memory_space<vmem>>, vector<1x16xf32>,
      %broadcast_in_dim3A_172 = arith.constant 0.000000e+00 : f32
      %broadcast_in_dim3A_173 = vector.broadcast %broadcast_in_dim3A_172 : f32 to vector<16xf32>
      %swap3A_174 = arith.index_cast %scan3A_166 : i32 to index
      %swap3A_175 = arith.constant 16 : index
      %swap3A_176 = tpu.vector_load %arg8[%swap3A_174, %swap3A_175] {strides = array<i32>} : memref<128x128xf32, #tpu.memory_space<vmem>>, vector<1x16xf32>,
      %swap3A_177 = vector.shape_cast %swap3A_176 : vector<1x16xf32> to vector<16xf32>
      %swap3A_178 = vector.shape_cast %broadcast_in_dim3A_173 : vector<16xf32> to vector<1x16xf32>
      tpu.vector_store %arg8[%swap3A_174, %swap3A_175], %swap3A_178 {strides = array<i32>} : memref<128x128xf32, #tpu.memory_space<vmem>>, vector<1x16xf32>,
      %broadcast_in_dim3A_179 = arith.constant 0.000000e+00 : f32
      %broadcast_in_dim3A_180 = vector.broadcast %broadcast_in_dim3A_179 : f32 to vector<16xf32>
      %swap3A_181 = arith.index_cast %scan3A_166 : i32 to index
      %swap3A_182 = arith.constant 32 : index
      %swap3A_183 = tpu.vector_load %arg8[%swap3A_181, %swap3A_182] {strides = array<i32>} : memref<128x128xf32, #tpu.memory_space<vmem>>, vector<1x16xf32>,
      %swap3A_184 = vector.shape_cast %swap3A_183 : vector<1x16xf32> to vector<16xf32>
      %swap3A_185 = vector.shape_cast %broadcast_in_dim3A_180 : vector<16xf32> to vector<1x16xf32>
      tpu.vector_store %arg8[%swap3A_181, %swap3A_182], %swap3A_185 {strides = array<i32>} : memref<128x128xf32, #tpu.memory_space<vmem>>, vector<1x16xf32>,
      %broadcast_in_dim3A_186 = arith.constant 0.000000e+00 : f32
      %broadcast_in_dim3A_187 = vector.broadcast %broadcast_in_dim3A_186 : f32 to vector<16xf32>
      %swap3A_188 = arith.index_cast %scan3A_166 : i32 to index
      %swap3A_189 = arith.constant 48 : index
      %swap3A_190 = tpu.vector_load %arg8[%swap3A_188, %swap3A_189] {strides = array<i32>} : memref<128x128xf32, #tpu.memory_space<vmem>>, vector<1x16xf32>,
      %swap3A_191 = vector.shape_cast %swap3A_190 : vector<1x16xf32> to vector<16xf32>
      %swap3A_192 = vector.shape_cast %broadcast_in_dim3A_187 : vector<16xf32> to vector<1x16xf32>
      tpu.vector_store %arg8[%swap3A_188, %swap3A_189], %swap3A_192 {strides = array<i32>} : memref<128x128xf32, #tpu.memory_space<vmem>>, vector<1x16xf32>,
      %broadcast_in_dim3A_193 = arith.constant 0.000000e+00 : f32
      %broadcast_in_dim3A_194 = vector.broadcast %broadcast_in_dim3A_193 : f32 to vector<16xf32>
      %swap3A_195 = arith.index_cast %scan3A_166 : i32 to index
      %swap3A_196 = arith.constant 64 : index
      %swap3A_197 = tpu.vector_load %arg8[%swap3A_195, %swap3A_196] {strides = array<i32>} : memref<128x128xf32, #tpu.memory_space<vmem>>, vector<1x16xf32>,
      %swap3A_198 = vector.shape_cast %swap3A_197 : vector<1x16xf32> to vector<16xf32>
      %swap3A_199 = vector.shape_cast %broadcast_in_dim3A_194 : vector<16xf32> to vector<1x16xf32>
      tpu.vector_store %arg8[%swap3A_195, %swap3A_196], %swap3A_199 {strides = array<i32>} : memref<128x128xf32, #tpu.memory_space<vmem>>, vector<1x16xf32>,
      %broadcast_in_dim3A_200 = arith.constant 0.000000e+00 : f32
      %broadcast_in_dim3A_201 = vector.broadcast %broadcast_in_dim3A_200 : f32 to vector<16xf32>
      %swap3A_202 = arith.index_cast %scan3A_166 : i32 to index
      %swap3A_203 = arith.constant 80 : index
      %swap3A_204 = tpu.vector_load %arg8[%swap3A_202, %swap3A_203] {strides = array<i32>} : memref<128x128xf32, #tpu.memory_space<vmem>>, vector<1x16xf32>,
      %swap3A_205 = vector.shape_cast %swap3A_204 : vector<1x16xf32> to vector<16xf32>
      %swap3A_206 = vector.shape_cast %broadcast_in_dim3A_201 : vector<16xf32> to vector<1x16xf32>
      tpu.vector_store %arg8[%swap3A_202, %swap3A_203], %swap3A_206 {strides = array<i32>} : memref<128x128xf32, #tpu.memory_space<vmem>>, vector<1x16xf32>,
      %broadcast_in_dim3A_207 = arith.constant 0.000000e+00 : f32
      %broadcast_in_dim3A_208 = vector.broadcast %broadcast_in_dim3A_207 : f32 to vector<16xf32>
      %swap3A_209 = arith.index_cast %scan3A_166 : i32 to index
      %swap3A_210 = arith.constant 96 : index
      %swap3A_211 = tpu.vector_load %arg8[%swap3A_209, %swap3A_210] {strides = array<i32>} : memref<128x128xf32, #tpu.memory_space<vmem>>, vector<1x16xf32>,
      %swap3A_212 = vector.shape_cast %swap3A_211 : vector<1x16xf32> to vector<16xf32>
      %swap3A_213 = vector.shape_cast %broadcast_in_dim3A_208 : vector<16xf32> to vector<1x16xf32>
      tpu.vector_store %arg8[%swap3A_209, %swap3A_210], %swap3A_213 {strides = array<i32>} : memref<128x128xf32, #tpu.memory_space<vmem>>, vector<1x16xf32>,
      %broadcast_in_dim3A_214 = arith.constant 0.000000e+00 : f32
      %broadcast_in_dim3A_215 = vector.broadcast %broadcast_in_dim3A_214 : f32 to vector<16xf32>
      %swap3A_216 = arith.index_cast %scan3A_166 : i32 to index
      %swap3A_217 = arith.constant 112 : index
      %swap3A_218 = tpu.vector_load %arg8[%swap3A_216, %swap3A_217] {strides = array<i32>} : memref<128x128xf32, #tpu.memory_space<vmem>>, vector<1x16xf32>,
      %swap3A_219 = vector.shape_cast %swap3A_218 : vector<1x16xf32> to vector<16xf32>
      %swap3A_220 = vector.shape_cast %broadcast_in_dim3A_215 : vector<16xf32> to vector<1x16xf32>
      tpu.vector_store %arg8[%swap3A_216, %swap3A_217], %swap3A_220 {strides = array<i32>} : memref<128x128xf32, #tpu.memory_space<vmem>>, vector<1x16xf32>,
    }
    %scan3A_22 = arith.constant 128 : i32
    %mul3A_23 = arith.constant 640 : i32
    %mul3A_24 = arith.muli %arg1, %mul3A_23 : i32
    %add3A_25 = arith.constant 0 : i32
    %add3A_26 = arith.addi %mul3A_24, %add3A_25 : i32
    %dma_start3A_27 = arith.constant 0 : i32
    %dma_start3A_28 = tpu.memref_slice %arg10[%add3A_26, %dma_start3A_27] : memref<10240x128xf32, #tpu.memory_space<vmem_shared>> -> memref<128x128xf32, #tpu.memory_space<vmem_shared>>
    %dma_start3A_29 = arith.constant 0 : i32
    %dma_start3A_30 = tpu.memref_slice %arg10[%add3A_26, %dma_start3A_29] : memref<10240x128xf32, #tpu.memory_space<vmem_shared>> -> memref<128x128xf32, #tpu.memory_space<vmem_shared>>
    tpu.enqueue_dma source(%arg8 : memref<128x128xf32, #tpu.memory_space<vmem>>) target(%dma_start3A_30 : memref<128x128xf32, #tpu.memory_space<vmem_shared>>) target_semaphore(%arg11 : memref<!tpu.dma_semaphore, #tpu.memory_space<semaphore_mem>>)
    %mul3A_31 = arith.constant 640 : i32
    %mul3A_32 = arith.muli %arg1, %mul3A_31 : i32
    %add3A_33 = arith.constant 128 : i32
    %add3A_34 = arith.addi %mul3A_32, %add3A_33 : i32
    %dma_start3A_35 = arith.constant 0 : i32
    %dma_start3A_36 = tpu.memref_slice %arg10[%add3A_34, %dma_start3A_35] : memref<10240x128xf32, #tpu.memory_space<vmem_shared>> -> memref<128x128xf32, #tpu.memory_space<vmem_shared>>
    %dma_start3A_37 = arith.constant 0 : i32
    %dma_start3A_38 = tpu.memref_slice %arg10[%add3A_34, %dma_start3A_37] : memref<10240x128xf32, #tpu.memory_space<vmem_shared>> -> memref<128x128xf32, #tpu.memory_space<vmem_shared>>
    tpu.enqueue_dma source(%arg8 : memref<128x128xf32, #tpu.memory_space<vmem>>) target(%dma_start3A_38 : memref<128x128xf32, #tpu.memory_space<vmem_shared>>) target_semaphore(%arg11 : memref<!tpu.dma_semaphore, #tpu.memory_space<semaphore_mem>>)
    %mul3A_39 = arith.constant 640 : i32
    %mul3A_40 = arith.muli %arg1, %mul3A_39 : i32
    %add3A_41 = arith.constant 256 : i32
    %add3A_42 = arith.addi %mul3A_40, %add3A_41 : i32
    %dma_start3A_43 = arith.constant 0 : i32
    %dma_start3A_44 = tpu.memref_slice %arg10[%add3A_42, %dma_start3A_43] : memref<10240x128xf32, #tpu.memory_space<vmem_shared>> -> memref<128x128xf32, #tpu.memory_space<vmem_shared>>
    %dma_start3A_45 = arith.constant 0 : i32
    %dma_start3A_46 = tpu.memref_slice %arg10[%add3A_42, %dma_start3A_45] : memref<10240x128xf32, #tpu.memory_space<vmem_shared>> -> memref<128x128xf32, #tpu.memory_space<vmem_shared>>
    tpu.enqueue_dma source(%arg8 : memref<128x128xf32, #tpu.memory_space<vmem>>) target(%dma_start3A_46 : memref<128x128xf32, #tpu.memory_space<vmem_shared>>) target_semaphore(%arg11 : memref<!tpu.dma_semaphore, #tpu.memory_space<semaphore_mem>>)
    %mul3A_47 = arith.constant 640 : i32
    %mul3A_48 = arith.muli %arg1, %mul3A_47 : i32
    %add3A_49 = arith.constant 384 : i32
    %add3A_50 = arith.addi %mul3A_48, %add3A_49 : i32
    %dma_start3A_51 = arith.constant 0 : i32
    %dma_start3A_52 = tpu.memref_slice %arg10[%add3A_50, %dma_start3A_51] : memref<10240x128xf32, #tpu.memory_space<vmem_shared>> -> memref<128x128xf32, #tpu.memory_space<vmem_shared>>
    %dma_start3A_53 = arith.constant 0 : i32
    %dma_start3A_54 = tpu.memref_slice %arg10[%add3A_50, %dma_start3A_53] : memref<10240x128xf32, #tpu.memory_space<vmem_shared>> -> memref<128x128xf32, #tpu.memory_space<vmem_shared>>
    tpu.enqueue_dma source(%arg8 : memref<128x128xf32, #tpu.memory_space<vmem>>) target(%dma_start3A_54 : memref<128x128xf32, #tpu.memory_space<vmem_shared>>) target_semaphore(%arg11 : memref<!tpu.dma_semaphore, #tpu.memory_space<semaphore_mem>>)
    %mul3A_55 = arith.constant 640 : i32
    %mul3A_56 = arith.muli %arg1, %mul3A_55 : i32
    %add3A_57 = arith.constant 512 : i32
    %add3A_58 = arith.addi %mul3A_56, %add3A_57 : i32
    %dma_start3A_59 = arith.constant 0 : i32
    %dma_start3A_60 = tpu.memref_slice %arg10[%add3A_58, %dma_start3A_59] : memref<10240x128xf32, #tpu.memory_space<vmem_shared>> -> memref<128x128xf32, #tpu.memory_space<vmem_shared>>
    %dma_start3A_61 = arith.constant 0 : i32
    %dma_start3A_62 = tpu.memref_slice %arg10[%add3A_58, %dma_start3A_61] : memref<10240x128xf32, #tpu.memory_space<vmem_shared>> -> memref<128x128xf32, #tpu.memory_space<vmem_shared>>
    tpu.enqueue_dma source(%arg8 : memref<128x128xf32, #tpu.memory_space<vmem>>) target(%dma_start3A_62 : memref<128x128xf32, #tpu.memory_space<vmem_shared>>) target_semaphore(%arg11 : memref<!tpu.dma_semaphore, #tpu.memory_space<semaphore_mem>>)
    %mul3A_63 = arith.constant 640 : i32
    %mul3A_64 = arith.muli %arg1, %mul3A_63 : i32
    %add3A_65 = arith.constant 0 : i32
    %add3A_66 = arith.addi %mul3A_64, %add3A_65 : i32
    %dma_wait3A = arith.constant 0 : i32
    %dma_wait3A_67 = tpu.memref_slice %arg10[%add3A_66, %dma_wait3A] : memref<10240x128xf32, #tpu.memory_space<vmem_shared>> -> memref<128x128xf32, #tpu.memory_space<vmem_shared>>
    %dma_wait3A_68 = arith.constant 0 : i32
    %dma_wait3A_69 = tpu.memref_slice %arg10[%add3A_66, %dma_wait3A_68] : memref<10240x128xf32, #tpu.memory_space<vmem_shared>> -> memref<128x128xf32, #tpu.memory_space<vmem_shared>>
    tpu.wait_dma2 semaphore(%arg11 : memref<!tpu.dma_semaphore, #tpu.memory_space<semaphore_mem>>) src(%arg8 : memref<128x128xf32, #tpu.memory_space<vmem>>) dst(%dma_wait3A_69 : memref<128x128xf32, #tpu.memory_space<vmem_shared>>)
    %mul3A_70 = arith.constant 640 : i32
    %mul3A_71 = arith.muli %arg1, %mul3A_70 : i32
    %add3A_72 = arith.constant 128 : i32
    %add3A_73 = arith.addi %mul3A_71, %add3A_72 : i32
    %dma_wait3A_74 = arith.constant 0 : i32
    %dma_wait3A_75 = tpu.memref_slice %arg10[%add3A_73, %dma_wait3A_74] : memref<10240x128xf32, #tpu.memory_space<vmem_shared>> -> memref<128x128xf32, #tpu.memory_space<vmem_shared>>
    %dma_wait3A_76 = arith.constant 0 : i32
    %dma_wait3A_77 = tpu.memref_slice %arg10[%add3A_73, %dma_wait3A_76] : memref<10240x128xf32, #tpu.memory_space<vmem_shared>> -> memref<128x128xf32, #tpu.memory_space<vmem_shared>>
    tpu.wait_dma2 semaphore(%arg11 : memref<!tpu.dma_semaphore, #tpu.memory_space<semaphore_mem>>) src(%arg8 : memref<128x128xf32, #tpu.memory_space<vmem>>) dst(%dma_wait3A_77 : memref<128x128xf32, #tpu.memory_space<vmem_shared>>)
    %mul3A_78 = arith.constant 640 : i32
    %mul3A_79 = arith.muli %arg1, %mul3A_78 : i32
    %add3A_80 = arith.constant 256 : i32
    %add3A_81 = arith.addi %mul3A_79, %add3A_80 : i32
    %dma_wait3A_82 = arith.constant 0 : i32
    %dma_wait3A_83 = tpu.memref_slice %arg10[%add3A_81, %dma_wait3A_82] : memref<10240x128xf32, #tpu.memory_space<vmem_shared>> -> memref<128x128xf32, #tpu.memory_space<vmem_shared>>
    %dma_wait3A_84 = arith.constant 0 : i32
    %dma_wait3A_85 = tpu.memref_slice %arg10[%add3A_81, %dma_wait3A_84] : memref<10240x128xf32, #tpu.memory_space<vmem_shared>> -> memref<128x128xf32, #tpu.memory_space<vmem_shared>>
    tpu.wait_dma2 semaphore(%arg11 : memref<!tpu.dma_semaphore, #tpu.memory_space<semaphore_mem>>) src(%arg8 : memref<128x128xf32, #tpu.memory_space<vmem>>) dst(%dma_wait3A_85 : memref<128x128xf32, #tpu.memory_space<vmem_shared>>)
    %mul3A_86 = arith.constant 640 : i32
    %mul3A_87 = arith.muli %arg1, %mul3A_86 : i32
    %add3A_88 = arith.constant 384 : i32
    %add3A_89 = arith.addi %mul3A_87, %add3A_88 : i32
    %dma_wait3A_90 = arith.constant 0 : i32
    %dma_wait3A_91 = tpu.memref_slice %arg10[%add3A_89, %dma_wait3A_90] : memref<10240x128xf32, #tpu.memory_space<vmem_shared>> -> memref<128x128xf32, #tpu.memory_space<vmem_shared>>
    %dma_wait3A_92 = arith.constant 0 : i32
    %dma_wait3A_93 = tpu.memref_slice %arg10[%add3A_89, %dma_wait3A_92] : memref<10240x128xf32, #tpu.memory_space<vmem_shared>> -> memref<128x128xf32, #tpu.memory_space<vmem_shared>>
    tpu.wait_dma2 semaphore(%arg11 : memref<!tpu.dma_semaphore, #tpu.memory_space<semaphore_mem>>) src(%arg8 : memref<128x128xf32, #tpu.memory_space<vmem>>) dst(%dma_wait3A_93 : memref<128x128xf32, #tpu.memory_space<vmem_shared>>)
    %mul3A_94 = arith.constant 640 : i32
    %mul3A_95 = arith.muli %arg1, %mul3A_94 : i32
    %add3A_96 = arith.constant 512 : i32
    %add3A_97 = arith.addi %mul3A_95, %add3A_96 : i32
    %dma_wait3A_98 = arith.constant 0 : i32
    %dma_wait3A_99 = tpu.memref_slice %arg10[%add3A_97, %dma_wait3A_98] : memref<10240x128xf32, #tpu.memory_space<vmem_shared>> -> memref<128x128xf32, #tpu.memory_space<vmem_shared>>
    %dma_wait3A_100 = arith.constant 0 : i32
    %dma_wait3A_101 = tpu.memref_slice %arg10[%add3A_97, %dma_wait3A_100] : memref<10240x128xf32, #tpu.memory_space<vmem_shared>> -> memref<128x128xf32, #tpu.memory_space<vmem_shared>>
    tpu.wait_dma2 semaphore(%arg11 : memref<!tpu.dma_semaphore, #tpu.memory_space<semaphore_mem>>) src(%arg8 : memref<128x128xf32, #tpu.memory_space<vmem>>) dst(%dma_wait3A_101 : memref<128x128xf32, #tpu.memory_space<vmem_shared>>)
    %dma_wait3A_102 = arith.constant 0 : i32
    %dma_wait3A_103 = arith.constant 0 : i32
    %dma_wait3A_104 = arith.constant 0 : i32
    %dma_wait3A_105 = tpu.memref_slice %arg3[%add3A, %dma_wait3A_102, %dma_wait3A_103, %dma_wait3A_104] : memref<32x2x41x128xi32, #tpu.memory_space<hbm>> -> memref<1x1x41x128xi32, #tpu.memory_space<hbm>>
    %dma_wait3A_106 = tpu.memref_squeeze %dma_wait3A_105 : memref<1x1x41x128xi32, #tpu.memory_space<hbm>> -> memref<41x128xi32, #tpu.memory_space<hbm>>
    %dma_wait3A_107 = arith.constant 0 : i32
    %dma_wait3A_108 = arith.constant 0 : i32
    %dma_wait3A_109 = tpu.memref_slice %arg3[%add3A, %dma_wait3A_102, %dma_wait3A_107, %dma_wait3A_108] : memref<32x2x41x128xi32, #tpu.memory_space<hbm>> -> memref<1x1x41x128xi32, #tpu.memory_space<hbm>>
    %dma_wait3A_110 = tpu.memref_squeeze %dma_wait3A_109 : memref<1x1x41x128xi32, #tpu.memory_space<hbm>> -> memref<41x128xi32, #tpu.memory_space<hbm>>
    tpu.wait_dma2 semaphore(%arg12 : memref<!tpu.dma_semaphore, #tpu.memory_space<semaphore_mem>>) src(%dma_wait3A_110 : memref<41x128xi32, #tpu.memory_space<hbm>>) dst(%arg6 : memref<41x128xi32, #tpu.memory_space<vmem>>)
    %dma_wait3A_111 = arith.constant 0 : i32
    %dma_wait3A_112 = arith.constant 0 : i32
    %dma_wait3A_113 = arith.constant 0 : i32
    %dma_wait3A_114 = tpu.memref_slice %arg4[%add3A, %dma_wait3A_111, %dma_wait3A_112, %dma_wait3A_113] : memref<32x2x40x128xi32, #tpu.memory_space<hbm>> -> memref<1x1x40x128xi32, #tpu.memory_space<hbm>>
    %dma_wait3A_115 = tpu.memref_squeeze %dma_wait3A_114 : memref<1x1x40x128xi32, #tpu.memory_space<hbm>> -> memref<40x128xi32, #tpu.memory_space<hbm>>
    %dma_wait3A_116 = arith.constant 0 : i32
    %dma_wait3A_117 = arith.constant 0 : i32
    %dma_wait3A_118 = tpu.memref_slice %arg4[%add3A, %dma_wait3A_111, %dma_wait3A_116, %dma_wait3A_117] : memref<32x2x40x128xi32, #tpu.memory_space<hbm>> -> memref<1x1x40x128xi32, #tpu.memory_space<hbm>>
    %dma_wait3A_119 = tpu.memref_squeeze %dma_wait3A_118 : memref<1x1x40x128xi32, #tpu.memory_space<hbm>> -> memref<40x128xi32, #tpu.memory_space<hbm>>
    tpu.wait_dma2 semaphore(%arg12 : memref<!tpu.dma_semaphore, #tpu.memory_space<semaphore_mem>>) src(%dma_wait3A_119 : memref<40x128xi32, #tpu.memory_space<hbm>>) dst(%arg7 : memref<40x128xi32, #tpu.memory_space<vmem>>)
    %barrier3A = arith.constant 0 : index
    tpu.barrier barrier_id(%barrier3A)
    %dma_start3A_120 = arith.constant 0 : i32
    %dma_start3A_121 = arith.constant 0 : i32
    %dma_start3A_122 = tpu.memref_slice %arg6[%dma_start3A_120, %dma_start3A_121] : memref<41x128xi32, #tpu.memory_space<vmem>> -> memref<1x128xi32, #tpu.memory_space<vmem>>
    %dma_start3A_123 = tpu.memref_squeeze %dma_start3A_122 : memref<1x128xi32, #tpu.memory_space<vmem>> -> memref<128xi32, #tpu.memory_space<vmem>>
    %dma_start3A_124 = arith.constant 0 : i32
    %dma_start3A_125 = arith.constant 0 : i32
    %dma_start3A_126 = tpu.memref_slice %arg2[%dma_start3A_124, %dma_start3A_125] : memref<270000x128xf32, #tpu.memory_space<hbm>> -> memref<270000x128xf32, #tpu.memory_space<hbm>>
    tpu.enqueue_indirect_dma source(%dma_start3A_126 : memref<270000x128xf32, #tpu.memory_space<hbm>>) target(%arg8 : memref<128x128xf32, #tpu.memory_space<vmem>>) offsets(%dma_start3A_123 : memref<128xi32, #tpu.memory_space<vmem>>) semaphore(%arg11 : memref<!tpu.dma_semaphore, #tpu.memory_space<semaphore_mem>>)
    %scan3A_127 = arith.constant 0 : i32
    %scan3A_128 = arith.constant 0 : i32
    %scan3A_129 = arith.constant 20 : i32
    %scan3A_130 = arith.addi %scan3A_128, %scan3A_129 : i32
    %scan3A_131 = arith.constant 1 : i32
    scf.for %scan3A_166 = %scan3A_128 to %scan3A_130 step %scan3A_131  : i32 {
      %mul3A_167 = arith.constant 2 : i32
      %mul3A_168 = arith.muli %mul3A_167, %scan3A_166 : i32
      %add3A_169 = arith.constant 1 : i32
      %add3A_170 = arith.addi %mul3A_168, %add3A_169 : i32
      %dma_start3A_171 = arith.constant 0 : i32
      %dma_start3A_172 = tpu.memref_slice %arg6[%add3A_170, %dma_start3A_171] : memref<41x128xi32, #tpu.memory_space<vmem>> -> memref<1x128xi32, #tpu.memory_space<vmem>>
      %dma_start3A_173 = tpu.memref_squeeze %dma_start3A_172 : memref<1x128xi32, #tpu.memory_space<vmem>> -> memref<128xi32, #tpu.memory_space<vmem>>
      %dma_start3A_174 = arith.constant 0 : i32
      %dma_start3A_175 = arith.constant 0 : i32
      %dma_start3A_176 = tpu.memref_slice %arg2[%dma_start3A_174, %dma_start3A_175] : memref<270000x128xf32, #tpu.memory_space<hbm>> -> memref<270000x128xf32, #tpu.memory_space<hbm>>
      tpu.enqueue_indirect_dma source(%dma_start3A_176 : memref<270000x128xf32, #tpu.memory_space<hbm>>) target(%arg9 : memref<128x128xf32, #tpu.memory_space<vmem>>) offsets(%dma_start3A_173 : memref<128xi32, #tpu.memory_space<vmem>>) semaphore(%arg12 : memref<!tpu.dma_semaphore, #tpu.memory_space<semaphore_mem>>)
      %dma_wait3A_177 = arith.constant 0 : i32
      %dma_wait3A_178 = tpu.memref_slice %arg6[%mul3A_168, %dma_wait3A_177] : memref<41x128xi32, #tpu.memory_space<vmem>> -> memref<1x128xi32, #tpu.memory_space<vmem>>
      %dma_wait3A_179 = tpu.memref_squeeze %dma_wait3A_178 : memref<1x128xi32, #tpu.memory_space<vmem>> -> memref<128xi32, #tpu.memory_space<vmem>>
      %dma_wait3A_180 = arith.constant 0 : i32
      %dma_wait3A_181 = arith.constant 0 : i32
      %dma_wait3A_182 = tpu.memref_slice %arg2[%dma_wait3A_180, %dma_wait3A_181] : memref<270000x128xf32, #tpu.memory_space<hbm>> -> memref<270000x128xf32, #tpu.memory_space<hbm>>
      tpu.wait_indirect_dma semaphore(%arg11 : memref<!tpu.dma_semaphore, #tpu.memory_space<semaphore_mem>>) src(%dma_wait3A_182 : memref<270000x128xf32, #tpu.memory_space<hbm>>) dst(%arg8 : memref<128x128xf32, #tpu.memory_space<vmem>>)
      "tpu.region"() ({
        %run_scoped3A_201 = tpu.sem_alloc : memref<!tpu.dma_semaphore, #tpu.memory_space<semaphore_mem>>
        %dma_start3A_202 = arith.constant 0 : i32
        %dma_start3A_203 = tpu.memref_slice %arg7[%mul3A_168, %dma_start3A_202] : memref<40x128xi32, #tpu.memory_space<vmem>> -> memref<1x128xi32, #tpu.memory_space<vmem>>
        %dma_start3A_204 = tpu.memref_squeeze %dma_start3A_203 : memref<1x128xi32, #tpu.memory_space<vmem>> -> memref<128xi32, #tpu.memory_space<vmem>>
        %dma_start3A_205 = arith.constant 0 : i32
        %dma_start3A_206 = arith.constant 0 : i32
        %dma_start3A_207 = tpu.memref_slice %arg10[%dma_start3A_205, %dma_start3A_206] : memref<10240x128xf32, #tpu.memory_space<vmem_shared>> -> memref<10240x128xf32, #tpu.memory_space<vmem_shared>>
        tpu.enqueue_indirect_dma source(%arg8 : memref<128x128xf32, #tpu.memory_space<vmem>>) target(%dma_start3A_207 : memref<10240x128xf32, #tpu.memory_space<vmem_shared>>) offsets(%dma_start3A_204 : memref<128xi32, #tpu.memory_space<vmem>>) semaphore(%run_scoped3A_201 : memref<!tpu.dma_semaphore, #tpu.memory_space<semaphore_mem>>) {add = true}
        %dma_wait3A_208 = arith.constant 0 : i32
        %dma_wait3A_209 = tpu.memref_slice %arg7[%mul3A_168, %dma_wait3A_208] : memref<40x128xi32, #tpu.memory_space<vmem>> -> memref<1x128xi32, #tpu.memory_space<vmem>>
        %dma_wait3A_210 = tpu.memref_squeeze %dma_wait3A_209 : memref<1x128xi32, #tpu.memory_space<vmem>> -> memref<128xi32, #tpu.memory_space<vmem>>
        %dma_wait3A_211 = arith.constant 0 : i32
        %dma_wait3A_212 = arith.constant 0 : i32
        %dma_wait3A_213 = tpu.memref_slice %arg10[%dma_wait3A_211, %dma_wait3A_212] : memref<10240x128xf32, #tpu.memory_space<vmem_shared>> -> memref<10240x128xf32, #tpu.memory_space<vmem_shared>>
        tpu.wait_indirect_dma semaphore(%run_scoped3A_201 : memref<!tpu.dma_semaphore, #tpu.memory_space<semaphore_mem>>) src(%arg8 : memref<128x128xf32, #tpu.memory_space<vmem>>) dst(%dma_wait3A_213 : memref<10240x128xf32, #tpu.memory_space<vmem_shared>>)
        tpu.yield
      }) : () -> ()
      %add3A_183 = arith.constant 2 : i32
      %add3A_184 = arith.addi %mul3A_168, %add3A_183 : i32
      %dma_start3A_185 = arith.constant 0 : i32
      %dma_start3A_186 = tpu.memref_slice %arg6[%add3A_184, %dma_start3A_185] : memref<41x128xi32, #tpu.memory_space<vmem>> -> memref<1x128xi32, #tpu.memory_space<vmem>>
      %dma_start3A_187 = tpu.memref_squeeze %dma_start3A_186 : memref<1x128xi32, #tpu.memory_space<vmem>> -> memref<128xi32, #tpu.memory_space<vmem>>
      %dma_start3A_188 = arith.constant 0 : i32
      %dma_start3A_189 = arith.constant 0 : i32
      %dma_start3A_190 = tpu.memref_slice %arg2[%dma_start3A_188, %dma_start3A_189] : memref<270000x128xf32, #tpu.memory_space<hbm>> -> memref<270000x128xf32, #tpu.memory_space<hbm>>
      tpu.enqueue_indirect_dma source(%dma_start3A_190 : memref<270000x128xf32, #tpu.memory_space<hbm>>) target(%arg8 : memref<128x128xf32, #tpu.memory_space<vmem>>) offsets(%dma_start3A_187 : memref<128xi32, #tpu.memory_space<vmem>>) semaphore(%arg11 : memref<!tpu.dma_semaphore, #tpu.memory_space<semaphore_mem>>)
      %add3A_191 = arith.constant 1 : i32
      %add3A_192 = arith.addi %mul3A_168, %add3A_191 : i32
      %dma_wait3A_193 = arith.constant 0 : i32
      %dma_wait3A_194 = tpu.memref_slice %arg6[%add3A_192, %dma_wait3A_193] : memref<41x128xi32, #tpu.memory_space<vmem>> -> memref<1x128xi32, #tpu.memory_space<vmem>>
      %dma_wait3A_195 = tpu.memref_squeeze %dma_wait3A_194 : memref<1x128xi32, #tpu.memory_space<vmem>> -> memref<128xi32, #tpu.memory_space<vmem>>
      %dma_wait3A_196 = arith.constant 0 : i32
      %dma_wait3A_197 = arith.constant 0 : i32
      %dma_wait3A_198 = tpu.memref_slice %arg2[%dma_wait3A_196, %dma_wait3A_197] : memref<270000x128xf32, #tpu.memory_space<hbm>> -> memref<270000x128xf32, #tpu.memory_space<hbm>>
      tpu.wait_indirect_dma semaphore(%arg12 : memref<!tpu.dma_semaphore, #tpu.memory_space<semaphore_mem>>) src(%dma_wait3A_198 : memref<270000x128xf32, #tpu.memory_space<hbm>>) dst(%arg9 : memref<128x128xf32, #tpu.memory_space<vmem>>)
      %add3A_199 = arith.constant 1 : i32
      %add3A_200 = arith.addi %mul3A_168, %add3A_199 : i32
      "tpu.region"() ({
        %run_scoped3A_201 = tpu.sem_alloc : memref<!tpu.dma_semaphore, #tpu.memory_space<semaphore_mem>>
        %dma_start3A_202 = arith.constant 0 : i32
        %dma_start3A_203 = tpu.memref_slice %arg7[%add3A_200, %dma_start3A_202] : memref<40x128xi32, #tpu.memory_space<vmem>> -> memref<1x128xi32, #tpu.memory_space<vmem>>
        %dma_start3A_204 = tpu.memref_squeeze %dma_start3A_203 : memref<1x128xi32, #tpu.memory_space<vmem>> -> memref<128xi32, #tpu.memory_space<vmem>>
        %dma_start3A_205 = arith.constant 0 : i32
        %dma_start3A_206 = arith.constant 0 : i32
        %dma_start3A_207 = tpu.memref_slice %arg10[%dma_start3A_205, %dma_start3A_206] : memref<10240x128xf32, #tpu.memory_space<vmem_shared>> -> memref<10240x128xf32, #tpu.memory_space<vmem_shared>>
        tpu.enqueue_indirect_dma source(%arg9 : memref<128x128xf32, #tpu.memory_space<vmem>>) target(%dma_start3A_207 : memref<10240x128xf32, #tpu.memory_space<vmem_shared>>) offsets(%dma_start3A_204 : memref<128xi32, #tpu.memory_space<vmem>>) semaphore(%run_scoped3A_201 : memref<!tpu.dma_semaphore, #tpu.memory_space<semaphore_mem>>) {add = true}
        %dma_wait3A_208 = arith.constant 0 : i32
        %dma_wait3A_209 = tpu.memref_slice %arg7[%add3A_200, %dma_wait3A_208] : memref<40x128xi32, #tpu.memory_space<vmem>> -> memref<1x128xi32, #tpu.memory_space<vmem>>
        %dma_wait3A_210 = tpu.memref_squeeze %dma_wait3A_209 : memref<1x128xi32, #tpu.memory_space<vmem>> -> memref<128xi32, #tpu.memory_space<vmem>>
        %dma_wait3A_211 = arith.constant 0 : i32
        %dma_wait3A_212 = arith.constant 0 : i32
        %dma_wait3A_213 = tpu.memref_slice %arg10[%dma_wait3A_211, %dma_wait3A_212] : memref<10240x128xf32, #tpu.memory_space<vmem_shared>> -> memref<10240x128xf32, #tpu.memory_space<vmem_shared>>
        tpu.wait_indirect_dma semaphore(%run_scoped3A_201 : memref<!tpu.dma_semaphore, #tpu.memory_space<semaphore_mem>>) src(%arg9 : memref<128x128xf32, #tpu.memory_space<vmem>>) dst(%dma_wait3A_213 : memref<10240x128xf32, #tpu.memory_space<vmem_shared>>)
        tpu.yield
      }) : () -> ()
    }
    %scan3A_132 = arith.constant 20 : i32
    %dma_wait3A_133 = arith.constant 40 : i32
    %dma_wait3A_134 = arith.constant 0 : i32
    %dma_wait3A_135 = tpu.memref_slice %arg6[%dma_wait3A_133, %dma_wait3A_134] : memref<41x128xi32, #tpu.memory_space<vmem>> -> memref<1x128xi32, #tpu.memory_space<vmem>>
    %dma_wait3A_136 = tpu.memref_squeeze %dma_wait3A_135 : memref<1x128xi32, #tpu.memory_space<vmem>> -> memref<128xi32, #tpu.memory_space<vmem>>
    %dma_wait3A_137 = arith.constant 0 : i32
    %dma_wait3A_138 = arith.constant 0 : i32
    %dma_wait3A_139 = tpu.memref_slice %arg2[%dma_wait3A_137, %dma_wait3A_138] : memref<270000x128xf32, #tpu.memory_space<hbm>> -> memref<270000x128xf32, #tpu.memory_space<hbm>>
    tpu.wait_indirect_dma semaphore(%arg11 : memref<!tpu.dma_semaphore, #tpu.memory_space<semaphore_mem>>) src(%dma_wait3A_139 : memref<270000x128xf32, #tpu.memory_space<hbm>>) dst(%arg8 : memref<128x128xf32, #tpu.memory_space<vmem>>)
    %run_scoped3A = arith.constant 1 : i32
    "tpu.region"() ({
      %run_scoped3A_166 = tpu.sem_alloc : memref<!tpu.dma_semaphore, #tpu.memory_space<semaphore_mem>>
      %dma_start3A_167 = arith.constant 0 : i32
      %dma_start3A_168 = arith.constant 0 : i32
      %dma_start3A_169 = tpu.memref_slice %arg3[%add3A, %run_scoped3A, %dma_start3A_167, %dma_start3A_168] : memref<32x2x41x128xi32, #tpu.memory_space<hbm>> -> memref<1x1x41x128xi32, #tpu.memory_space<hbm>>
      %dma_start3A_170 = tpu.memref_squeeze %dma_start3A_169 : memref<1x1x41x128xi32, #tpu.memory_space<hbm>> -> memref<41x128xi32, #tpu.memory_space<hbm>>
      %dma_start3A_171 = arith.constant 0 : i32
      %dma_start3A_172 = arith.constant 0 : i32
      %dma_start3A_173 = tpu.memref_slice %arg3[%add3A, %run_scoped3A, %dma_start3A_171, %dma_start3A_172] : memref<32x2x41x128xi32, #tpu.memory_space<hbm>> -> memref<1x1x41x128xi32, #tpu.memory_space<hbm>>
      %dma_start3A_174 = tpu.memref_squeeze %dma_start3A_173 : memref<1x1x41x128xi32, #tpu.memory_space<hbm>> -> memref<41x128xi32, #tpu.memory_space<hbm>>
      tpu.enqueue_dma source(%dma_start3A_174 : memref<41x128xi32, #tpu.memory_space<hbm>>) target(%arg6 : memref<41x128xi32, #tpu.memory_space<vmem>>) target_semaphore(%run_scoped3A_166 : memref<!tpu.dma_semaphore, #tpu.memory_space<semaphore_mem>>)
      %dma_wait3A_175 = arith.constant 0 : i32
      %dma_wait3A_176 = arith.constant 0 : i32
      %dma_wait3A_177 = tpu.memref_slice %arg3[%add3A, %run_scoped3A, %dma_wait3A_175, %dma_wait3A_176] : memref<32x2x41x128xi32, #tpu.memory_space<hbm>> -> memref<1x1x41x128xi32, #tpu.memory_space<hbm>>
      %dma_wait3A_178 = tpu.memref_squeeze %dma_wait3A_177 : memref<1x1x41x128xi32, #tpu.memory_space<hbm>> -> memref<41x128xi32, #tpu.memory_space<hbm>>
      %dma_wait3A_179 = arith.constant 0 : i32
      %dma_wait3A_180 = arith.constant 0 : i32
      %dma_wait3A_181 = tpu.memref_slice %arg3[%add3A, %run_scoped3A, %dma_wait3A_179, %dma_wait3A_180] : memref<32x2x41x128xi32, #tpu.memory_space<hbm>> -> memref<1x1x41x128xi32, #tpu.memory_space<hbm>>
      %dma_wait3A_182 = tpu.memref_squeeze %dma_wait3A_181 : memref<1x1x41x128xi32, #tpu.memory_space<hbm>> -> memref<41x128xi32, #tpu.memory_space<hbm>>
      tpu.wait_dma2 semaphore(%run_scoped3A_166 : memref<!tpu.dma_semaphore, #tpu.memory_space<semaphore_mem>>) src(%dma_wait3A_182 : memref<41x128xi32, #tpu.memory_space<hbm>>) dst(%arg6 : memref<41x128xi32, #tpu.memory_space<vmem>>)
      tpu.yield
    }) : () -> ()
    %run_scoped3A_140 = arith.constant 1 : i32
    "tpu.region"() ({
      %run_scoped3A_166 = tpu.sem_alloc : memref<!tpu.dma_semaphore, #tpu.memory_space<semaphore_mem>>
      %dma_start3A_167 = arith.constant 0 : i32
      %dma_start3A_168 = arith.constant 0 : i32
      %dma_start3A_169 = tpu.memref_slice %arg4[%add3A, %run_scoped3A_140, %dma_start3A_167, %dma_start3A_168] : memref<32x2x40x128xi32, #tpu.memory_space<hbm>> -> memref<1x1x40x128xi32, #tpu.memory_space<hbm>>
      %dma_start3A_170 = tpu.memref_squeeze %dma_start3A_169 : memref<1x1x40x128xi32, #tpu.memory_space<hbm>> -> memref<40x128xi32, #tpu.memory_space<hbm>>
      %dma_start3A_171 = arith.constant 0 : i32
      %dma_start3A_172 = arith.constant 0 : i32
      %dma_start3A_173 = tpu.memref_slice %arg4[%add3A, %run_scoped3A_140, %dma_start3A_171, %dma_start3A_172] : memref<32x2x40x128xi32, #tpu.memory_space<hbm>> -> memref<1x1x40x128xi32, #tpu.memory_space<hbm>>
      %dma_start3A_174 = tpu.memref_squeeze %dma_start3A_173 : memref<1x1x40x128xi32, #tpu.memory_space<hbm>> -> memref<40x128xi32, #tpu.memory_space<hbm>>
      tpu.enqueue_dma source(%dma_start3A_174 : memref<40x128xi32, #tpu.memory_space<hbm>>) target(%arg7 : memref<40x128xi32, #tpu.memory_space<vmem>>) target_semaphore(%run_scoped3A_166 : memref<!tpu.dma_semaphore, #tpu.memory_space<semaphore_mem>>)
      %dma_wait3A_175 = arith.constant 0 : i32
      %dma_wait3A_176 = arith.constant 0 : i32
      %dma_wait3A_177 = tpu.memref_slice %arg4[%add3A, %run_scoped3A_140, %dma_wait3A_175, %dma_wait3A_176] : memref<32x2x40x128xi32, #tpu.memory_space<hbm>> -> memref<1x1x40x128xi32, #tpu.memory_space<hbm>>
      %dma_wait3A_178 = tpu.memref_squeeze %dma_wait3A_177 : memref<1x1x40x128xi32, #tpu.memory_space<hbm>> -> memref<40x128xi32, #tpu.memory_space<hbm>>
      %dma_wait3A_179 = arith.constant 0 : i32
      %dma_wait3A_180 = arith.constant 0 : i32
      %dma_wait3A_181 = tpu.memref_slice %arg4[%add3A, %run_scoped3A_140, %dma_wait3A_179, %dma_wait3A_180] : memref<32x2x40x128xi32, #tpu.memory_space<hbm>> -> memref<1x1x40x128xi32, #tpu.memory_space<hbm>>
      %dma_wait3A_182 = tpu.memref_squeeze %dma_wait3A_181 : memref<1x1x40x128xi32, #tpu.memory_space<hbm>> -> memref<40x128xi32, #tpu.memory_space<hbm>>
      tpu.wait_dma2 semaphore(%run_scoped3A_166 : memref<!tpu.dma_semaphore, #tpu.memory_space<semaphore_mem>>) src(%dma_wait3A_182 : memref<40x128xi32, #tpu.memory_space<hbm>>) dst(%arg7 : memref<40x128xi32, #tpu.memory_space<vmem>>)
      tpu.yield
    }) : () -> ()
    %dma_start3A_141 = arith.constant 0 : i32
    %dma_start3A_142 = arith.constant 0 : i32
    %dma_start3A_143 = tpu.memref_slice %arg6[%dma_start3A_141, %dma_start3A_142] : memref<41x128xi32, #tpu.memory_space<vmem>> -> memref<1x128xi32, #tpu.memory_space<vmem>>
    %dma_start3A_144 = tpu.memref_squeeze %dma_start3A_143 : memref<1x128xi32, #tpu.memory_space<vmem>> -> memref<128xi32, #tpu.memory_space<vmem>>
    %dma_start3A_145 = arith.constant 0 : i32
    %dma_start3A_146 = arith.constant 0 : i32
    %dma_start3A_147 = tpu.memref_slice %arg2[%dma_start3A_145, %dma_start3A_146] : memref<270000x128xf32, #tpu.memory_space<hbm>> -> memref<270000x128xf32, #tpu.memory_space<hbm>>
    tpu.enqueue_indirect_dma source(%dma_start3A_147 : memref<270000x128xf32, #tpu.memory_space<hbm>>) target(%arg8 : memref<128x128xf32, #tpu.memory_space<vmem>>) offsets(%dma_start3A_144 : memref<128xi32, #tpu.memory_space<vmem>>) semaphore(%arg11 : memref<!tpu.dma_semaphore, #tpu.memory_space<semaphore_mem>>)
    %scan3A_148 = arith.constant 0 : i32
    %scan3A_149 = arith.constant 0 : i32
    %scan3A_150 = arith.constant 20 : i32
    %scan3A_151 = arith.addi %scan3A_149, %scan3A_150 : i32
    %scan3A_152 = arith.constant 1 : i32
    scf.for %scan3A_166 = %scan3A_149 to %scan3A_151 step %scan3A_152  : i32 {
      %mul3A_167 = arith.constant 2 : i32
      %mul3A_168 = arith.muli %mul3A_167, %scan3A_166 : i32
      %add3A_169 = arith.constant 1 : i32
      %add3A_170 = arith.addi %mul3A_168, %add3A_169 : i32
      %dma_start3A_171 = arith.constant 0 : i32
      %dma_start3A_172 = tpu.memref_slice %arg6[%add3A_170, %dma_start3A_171] : memref<41x128xi32, #tpu.memory_space<vmem>> -> memref<1x128xi32, #tpu.memory_space<vmem>>
      %dma_start3A_173 = tpu.memref_squeeze %dma_start3A_172 : memref<1x128xi32, #tpu.memory_space<vmem>> -> memref<128xi32, #tpu.memory_space<vmem>>
      %dma_start3A_174 = arith.constant 0 : i32
      %dma_start3A_175 = arith.constant 0 : i32
      %dma_start3A_176 = tpu.memref_slice %arg2[%dma_start3A_174, %dma_start3A_175] : memref<270000x128xf32, #tpu.memory_space<hbm>> -> memref<270000x128xf32, #tpu.memory_space<hbm>>
      tpu.enqueue_indirect_dma source(%dma_start3A_176 : memref<270000x128xf32, #tpu.memory_space<hbm>>) target(%arg9 : memref<128x128xf32, #tpu.memory_space<vmem>>) offsets(%dma_start3A_173 : memref<128xi32, #tpu.memory_space<vmem>>) semaphore(%arg12 : memref<!tpu.dma_semaphore, #tpu.memory_space<semaphore_mem>>)
      %dma_wait3A_177 = arith.constant 0 : i32
      %dma_wait3A_178 = tpu.memref_slice %arg6[%mul3A_168, %dma_wait3A_177] : memref<41x128xi32, #tpu.memory_space<vmem>> -> memref<1x128xi32, #tpu.memory_space<vmem>>
      %dma_wait3A_179 = tpu.memref_squeeze %dma_wait3A_178 : memref<1x128xi32, #tpu.memory_space<vmem>> -> memref<128xi32, #tpu.memory_space<vmem>>
      %dma_wait3A_180 = arith.constant 0 : i32
      %dma_wait3A_181 = arith.constant 0 : i32
      %dma_wait3A_182 = tpu.memref_slice %arg2[%dma_wait3A_180, %dma_wait3A_181] : memref<270000x128xf32, #tpu.memory_space<hbm>> -> memref<270000x128xf32, #tpu.memory_space<hbm>>
      tpu.wait_indirect_dma semaphore(%arg11 : memref<!tpu.dma_semaphore, #tpu.memory_space<semaphore_mem>>) src(%dma_wait3A_182 : memref<270000x128xf32, #tpu.memory_space<hbm>>) dst(%arg8 : memref<128x128xf32, #tpu.memory_space<vmem>>)
      "tpu.region"() ({
        %run_scoped3A_201 = tpu.sem_alloc : memref<!tpu.dma_semaphore, #tpu.memory_space<semaphore_mem>>
        %dma_start3A_202 = arith.constant 0 : i32
        %dma_start3A_203 = tpu.memref_slice %arg7[%mul3A_168, %dma_start3A_202] : memref<40x128xi32, #tpu.memory_space<vmem>> -> memref<1x128xi32, #tpu.memory_space<vmem>>
        %dma_start3A_204 = tpu.memref_squeeze %dma_start3A_203 : memref<1x128xi32, #tpu.memory_space<vmem>> -> memref<128xi32, #tpu.memory_space<vmem>>
        %dma_start3A_205 = arith.constant 0 : i32
        %dma_start3A_206 = arith.constant 0 : i32
        %dma_start3A_207 = tpu.memref_slice %arg10[%dma_start3A_205, %dma_start3A_206] : memref<10240x128xf32, #tpu.memory_space<vmem_shared>> -> memref<10240x128xf32, #tpu.memory_space<vmem_shared>>
        tpu.enqueue_indirect_dma source(%arg8 : memref<128x128xf32, #tpu.memory_space<vmem>>) target(%dma_start3A_207 : memref<10240x128xf32, #tpu.memory_space<vmem_shared>>) offsets(%dma_start3A_204 : memref<128xi32, #tpu.memory_space<vmem>>) semaphore(%run_scoped3A_201 : memref<!tpu.dma_semaphore, #tpu.memory_space<semaphore_mem>>) {add = true}
        %dma_wait3A_208 = arith.constant 0 : i32
        %dma_wait3A_209 = tpu.memref_slice %arg7[%mul3A_168, %dma_wait3A_208] : memref<40x128xi32, #tpu.memory_space<vmem>> -> memref<1x128xi32, #tpu.memory_space<vmem>>
        %dma_wait3A_210 = tpu.memref_squeeze %dma_wait3A_209 : memref<1x128xi32, #tpu.memory_space<vmem>> -> memref<128xi32, #tpu.memory_space<vmem>>
        %dma_wait3A_211 = arith.constant 0 : i32
        %dma_wait3A_212 = arith.constant 0 : i32
        %dma_wait3A_213 = tpu.memref_slice %arg10[%dma_wait3A_211, %dma_wait3A_212] : memref<10240x128xf32, #tpu.memory_space<vmem_shared>> -> memref<10240x128xf32, #tpu.memory_space<vmem_shared>>
        tpu.wait_indirect_dma semaphore(%run_scoped3A_201 : memref<!tpu.dma_semaphore, #tpu.memory_space<semaphore_mem>>) src(%arg8 : memref<128x128xf32, #tpu.memory_space<vmem>>) dst(%dma_wait3A_213 : memref<10240x128xf32, #tpu.memory_space<vmem_shared>>)
        tpu.yield
      }) : () -> ()
      %add3A_183 = arith.constant 2 : i32
      %add3A_184 = arith.addi %mul3A_168, %add3A_183 : i32
      %dma_start3A_185 = arith.constant 0 : i32
      %dma_start3A_186 = tpu.memref_slice %arg6[%add3A_184, %dma_start3A_185] : memref<41x128xi32, #tpu.memory_space<vmem>> -> memref<1x128xi32, #tpu.memory_space<vmem>>
      %dma_start3A_187 = tpu.memref_squeeze %dma_start3A_186 : memref<1x128xi32, #tpu.memory_space<vmem>> -> memref<128xi32, #tpu.memory_space<vmem>>
      %dma_start3A_188 = arith.constant 0 : i32
      %dma_start3A_189 = arith.constant 0 : i32
      %dma_start3A_190 = tpu.memref_slice %arg2[%dma_start3A_188, %dma_start3A_189] : memref<270000x128xf32, #tpu.memory_space<hbm>> -> memref<270000x128xf32, #tpu.memory_space<hbm>>
      tpu.enqueue_indirect_dma source(%dma_start3A_190 : memref<270000x128xf32, #tpu.memory_space<hbm>>) target(%arg8 : memref<128x128xf32, #tpu.memory_space<vmem>>) offsets(%dma_start3A_187 : memref<128xi32, #tpu.memory_space<vmem>>) semaphore(%arg11 : memref<!tpu.dma_semaphore, #tpu.memory_space<semaphore_mem>>)
      %add3A_191 = arith.constant 1 : i32
      %add3A_192 = arith.addi %mul3A_168, %add3A_191 : i32
      %dma_wait3A_193 = arith.constant 0 : i32
      %dma_wait3A_194 = tpu.memref_slice %arg6[%add3A_192, %dma_wait3A_193] : memref<41x128xi32, #tpu.memory_space<vmem>> -> memref<1x128xi32, #tpu.memory_space<vmem>>
      %dma_wait3A_195 = tpu.memref_squeeze %dma_wait3A_194 : memref<1x128xi32, #tpu.memory_space<vmem>> -> memref<128xi32, #tpu.memory_space<vmem>>
      %dma_wait3A_196 = arith.constant 0 : i32
      %dma_wait3A_197 = arith.constant 0 : i32
      %dma_wait3A_198 = tpu.memref_slice %arg2[%dma_wait3A_196, %dma_wait3A_197] : memref<270000x128xf32, #tpu.memory_space<hbm>> -> memref<270000x128xf32, #tpu.memory_space<hbm>>
      tpu.wait_indirect_dma semaphore(%arg12 : memref<!tpu.dma_semaphore, #tpu.memory_space<semaphore_mem>>) src(%dma_wait3A_198 : memref<270000x128xf32, #tpu.memory_space<hbm>>) dst(%arg9 : memref<128x128xf32, #tpu.memory_space<vmem>>)
      %add3A_199 = arith.constant 1 : i32
      %add3A_200 = arith.addi %mul3A_168, %add3A_199 : i32
      "tpu.region"() ({
        %run_scoped3A_201 = tpu.sem_alloc : memref<!tpu.dma_semaphore, #tpu.memory_space<semaphore_mem>>
        %dma_start3A_202 = arith.constant 0 : i32
        %dma_start3A_203 = tpu.memref_slice %arg7[%add3A_200, %dma_start3A_202] : memref<40x128xi32, #tpu.memory_space<vmem>> -> memref<1x128xi32, #tpu.memory_space<vmem>>
        %dma_start3A_204 = tpu.memref_squeeze %dma_start3A_203 : memref<1x128xi32, #tpu.memory_space<vmem>> -> memref<128xi32, #tpu.memory_space<vmem>>
        %dma_start3A_205 = arith.constant 0 : i32
        %dma_start3A_206 = arith.constant 0 : i32
        %dma_start3A_207 = tpu.memref_slice %arg10[%dma_start3A_205, %dma_start3A_206] : memref<10240x128xf32, #tpu.memory_space<vmem_shared>> -> memref<10240x128xf32, #tpu.memory_space<vmem_shared>>
        tpu.enqueue_indirect_dma source(%arg9 : memref<128x128xf32, #tpu.memory_space<vmem>>) target(%dma_start3A_207 : memref<10240x128xf32, #tpu.memory_space<vmem_shared>>) offsets(%dma_start3A_204 : memref<128xi32, #tpu.memory_space<vmem>>) semaphore(%run_scoped3A_201 : memref<!tpu.dma_semaphore, #tpu.memory_space<semaphore_mem>>) {add = true}
        %dma_wait3A_208 = arith.constant 0 : i32
        %dma_wait3A_209 = tpu.memref_slice %arg7[%add3A_200, %dma_wait3A_208] : memref<40x128xi32, #tpu.memory_space<vmem>> -> memref<1x128xi32, #tpu.memory_space<vmem>>
        %dma_wait3A_210 = tpu.memref_squeeze %dma_wait3A_209 : memref<1x128xi32, #tpu.memory_space<vmem>> -> memref<128xi32, #tpu.memory_space<vmem>>
        %dma_wait3A_211 = arith.constant 0 : i32
        %dma_wait3A_212 = arith.constant 0 : i32
        %dma_wait3A_213 = tpu.memref_slice %arg10[%dma_wait3A_211, %dma_wait3A_212] : memref<10240x128xf32, #tpu.memory_space<vmem_shared>> -> memref<10240x128xf32, #tpu.memory_space<vmem_shared>>
        tpu.wait_indirect_dma semaphore(%run_scoped3A_201 : memref<!tpu.dma_semaphore, #tpu.memory_space<semaphore_mem>>) src(%arg9 : memref<128x128xf32, #tpu.memory_space<vmem>>) dst(%dma_wait3A_213 : memref<10240x128xf32, #tpu.memory_space<vmem_shared>>)
        tpu.yield
      }) : () -> ()
    }
    %scan3A_153 = arith.constant 20 : i32
    %dma_wait3A_154 = arith.constant 40 : i32
    %dma_wait3A_155 = arith.constant 0 : i32
    %dma_wait3A_156 = tpu.memref_slice %arg6[%dma_wait3A_154, %dma_wait3A_155] : memref<41x128xi32, #tpu.memory_space<vmem>> -> memref<1x128xi32, #tpu.memory_space<vmem>>
    %dma_wait3A_157 = tpu.memref_squeeze %dma_wait3A_156 : memref<1x128xi32, #tpu.memory_space<vmem>> -> memref<128xi32, #tpu.memory_space<vmem>>
    %dma_wait3A_158 = arith.constant 0 : i32
    %dma_wait3A_159 = arith.constant 0 : i32
    %dma_wait3A_160 = tpu.memref_slice %arg2[%dma_wait3A_158, %dma_wait3A_159] : memref<270000x128xf32, #tpu.memory_space<hbm>> -> memref<270000x128xf32, #tpu.memory_space<hbm>>
    tpu.wait_indirect_dma semaphore(%arg11 : memref<!tpu.dma_semaphore, #tpu.memory_space<semaphore_mem>>) src(%dma_wait3A_160 : memref<270000x128xf32, #tpu.memory_space<hbm>>) dst(%arg8 : memref<128x128xf32, #tpu.memory_space<vmem>>)
    %barrier3A_161 = arith.constant 0 : index
    tpu.barrier barrier_id(%barrier3A_161)
    %mul3A_162 = arith.constant 640 : i32
    %mul3A_163 = arith.muli %arg1, %mul3A_162 : i32
    %mul3A_164 = arith.constant 640 : i32
    %mul3A_165 = arith.muli %arg1, %mul3A_164 : i32
    "tpu.region"() ({
      %run_scoped3A_166 = tpu.sem_alloc : memref<!tpu.dma_semaphore, #tpu.memory_space<semaphore_mem>>
      %dma_start3A_167 = arith.constant 0 : i32
      %dma_start3A_168 = tpu.memref_slice %arg5[%arg0, %mul3A_165, %dma_start3A_167] : memref<2x10240x128xf32, #tpu.memory_space<hbm>> -> memref<1x640x128xf32, #tpu.memory_space<hbm>>
      %dma_start3A_169 = tpu.memref_squeeze %dma_start3A_168 : memref<1x640x128xf32, #tpu.memory_space<hbm>> -> memref<640x128xf32, #tpu.memory_space<hbm>>
      %dma_start3A_170 = arith.constant 0 : i32
      %dma_start3A_171 = tpu.memref_slice %arg10[%mul3A_163, %dma_start3A_170] : memref<10240x128xf32, #tpu.memory_space<vmem_shared>> -> memref<640x128xf32, #tpu.memory_space<vmem_shared>>
      tpu.enqueue_dma source(%dma_start3A_171 : memref<640x128xf32, #tpu.memory_space<vmem_shared>>) target(%dma_start3A_169 : memref<640x128xf32, #tpu.memory_space<hbm>>) target_semaphore(%run_scoped3A_166 : memref<!tpu.dma_semaphore, #tpu.memory_space<semaphore_mem>>)
      %dma_wait3A_172 = arith.constant 0 : i32
      %dma_wait3A_173 = tpu.memref_slice %arg5[%arg0, %mul3A_165, %dma_wait3A_172] : memref<2x10240x128xf32, #tpu.memory_space<hbm>> -> memref<1x640x128xf32, #tpu.memory_space<hbm>>
      %dma_wait3A_174 = tpu.memref_squeeze %dma_wait3A_173 : memref<1x640x128xf32, #tpu.memory_space<hbm>> -> memref<640x128xf32, #tpu.memory_space<hbm>>
      %dma_wait3A_175 = arith.constant 0 : i32
      %dma_wait3A_176 = tpu.memref_slice %arg10[%mul3A_163, %dma_wait3A_175] : memref<10240x128xf32, #tpu.memory_space<vmem_shared>> -> memref<640x128xf32, #tpu.memory_space<vmem_shared>>
      tpu.wait_dma2 semaphore(%run_scoped3A_166 : memref<!tpu.dma_semaphore, #tpu.memory_space<semaphore_mem>>) src(%dma_wait3A_176 : memref<640x128xf32, #tpu.memory_space<vmem_shared>>) dst(%dma_wait3A_174 : memref<640x128xf32, #tpu.memory_space<hbm>>)
      tpu.yield
    }) : () -> ()
    return
  }
}

module attributes {stable_mosaic.version = 14 : i64} {
  func.func @_z_body(%arg0: i32, %arg1: memref<10000x128xf32, #tpu.memory_space<vmem>>, %arg2: memref<1x128x128xf32, #tpu.memory_space<vmem>>, %arg3: memref<1x10000x128xf32, #tpu.memory_space<vmem>>) attributes {dimension_semantics = [#tpu.dimension_semantics<arbitrary>], iteration_bounds = array<i64: 27>, scalar_prefetch = 0 : i64, scratch_operands = 0 : i64, tpu.core_type = #tpu.core_type<tc>, window_params = [{pipeline_mode = #tpu.pipeline_mode<synchronous>, transform_indices = @transform_0, window_bounds = array<i64: 10000, 128>}, {transform_indices = @transform_1, window_bounds = array<i64: 1, 128, 128>}, {transform_indices = @transform_2, window_bounds = array<i64: 1, 10000, 128>}]} {
    %get3A = arith.constant 0 : index
    %get3A_0 = arith.constant 0 : index
    %get3A_1 = vector.load %arg1[%get3A, %get3A_0] : memref<10000x128xf32, #tpu.memory_space<vmem>>, vector<10000x128xf32>
    %get3A_2 = arith.constant 0 : index
    %get3A_3 = arith.constant 0 : index
    %get3A_4 = arith.constant 0 : index
    %get3A_5 = vector.load %arg2[%get3A_2, %get3A_3, %get3A_4] : memref<1x128x128xf32, #tpu.memory_space<vmem>>, vector<1x128x128xf32>
    %get3A_6 = vector.shape_cast %get3A_5 : vector<1x128x128xf32> to vector<128x128xf32>
    %mul3A = arith.constant 0.0240562614 : f32
    %mul3A_7 = vector.broadcast %mul3A : f32 to vector<128x128xf32>
    %mul3A_8 = arith.mulf %get3A_6, %mul3A_7 : vector<128x128xf32>
    %dot_general3A = arith.constant dense<0.000000e+00> : vector<10000x128xf32>
    %dot_general3A_9 = tpu.matmul %get3A_1, %mul3A_8, %dot_general3A {dimension_numbers = #tpu.dot_dimension_numbers<[1], [0], [0], [1], [0, 0, 1, 1], [], []>, transpose_lhs_hint = false} : vector<10000x128xf32>, vector<128x128xf32>, vector<10000x128xf32> -> vector<10000x128xf32>
    %swap3A = arith.constant 0 : index
    %swap3A_10 = arith.constant 0 : index
    %swap3A_11 = arith.constant 0 : index
    %swap3A_12 = vector.load %arg3[%swap3A, %swap3A_10, %swap3A_11] : memref<1x10000x128xf32, #tpu.memory_space<vmem>>, vector<1x10000x128xf32>
    %swap3A_13 = vector.shape_cast %swap3A_12 : vector<1x10000x128xf32> to vector<10000x128xf32>
    %swap3A_14 = vector.shape_cast %dot_general3A_9 : vector<10000x128xf32> to vector<1x10000x128xf32>
    tpu.vector_store %arg3[%swap3A, %swap3A_10, %swap3A_11], %swap3A_14 {strides = array<i32>} : memref<1x10000x128xf32, #tpu.memory_space<vmem>>, vector<1x10000x128xf32>,
    return
  }
  func.func @transform_0(%arg0: i32) -> (i32, i32) {
    %c0_i32 = arith.constant 0 : i32
    %c0_i32_0 = arith.constant 0 : i32
    %c0_i32_1 = arith.constant 0 : i32
    return %c0_i32, %c0_i32_0 : i32, i32
  }
  func.func @transform_1(%arg0: i32) -> (i32, i32, i32) {
    %c0_i32 = arith.constant 0 : i32
    %c0_i32_0 = arith.constant 0 : i32
    %c0_i32_1 = arith.constant 0 : i32
    return %arg0, %c0_i32, %c0_i32_0 : i32, i32, i32
  }
  func.func @transform_2(%arg0: i32) -> (i32, i32, i32) {
    %c0_i32 = arith.constant 0 : i32
    %c0_i32_0 = arith.constant 0 : i32
    %c0_i32_1 = arith.constant 0 : i32
    return %arg0, %c0_i32, %c0_i32_0 : i32, i32, i32
  }
}

module attributes {stable_mosaic.version = 14 : i64} {
  func.func @_merge1_body(%arg0: i32, %arg1: memref<2x2000x128xf32, #tpu.memory_space<vmem>>, %arg2: memref<1x128xf32, #tpu.memory_space<vmem>>, %arg3: memref<2000x128xf32, #tpu.memory_space<vmem>>) attributes {dimension_semantics = [#tpu.dimension_semantics<arbitrary>], iteration_bounds = array<i64: 5>, scalar_prefetch = 0 : i64, scratch_operands = 0 : i64, tpu.core_type = #tpu.core_type<tc>, window_params = [{transform_indices = @transform_0, window_bounds = array<i64: 2, 2000, 128>}, {pipeline_mode = #tpu.pipeline_mode<synchronous>, transform_indices = @transform_1, window_bounds = array<i64: 1, 128>}, {transform_indices = @transform_2, window_bounds = array<i64: 2000, 128>}]} {
    %get3A = arith.constant 0 : index
    %get3A_0 = arith.constant 0 : index
    %get3A_1 = arith.constant 0 : index
    %get3A_2 = vector.load %arg1[%get3A, %get3A_0, %get3A_1] : memref<2x2000x128xf32, #tpu.memory_space<vmem>>, vector<1x2000x128xf32>
    %get3A_3 = vector.shape_cast %get3A_2 : vector<1x2000x128xf32> to vector<2000x128xf32>
    %get3A_4 = arith.constant 1 : index
    %get3A_5 = arith.constant 0 : index
    %get3A_6 = arith.constant 0 : index
    %get3A_7 = vector.load %arg1[%get3A_4, %get3A_5, %get3A_6] : memref<2x2000x128xf32, #tpu.memory_space<vmem>>, vector<1x2000x128xf32>
    %get3A_8 = vector.shape_cast %get3A_7 : vector<1x2000x128xf32> to vector<2000x128xf32>
    %add3A = arith.addf %get3A_3, %get3A_8 : vector<2000x128xf32>
    %get3A_9 = arith.constant 0 : index
    %get3A_10 = arith.constant 0 : index
    %get3A_11 = vector.load %arg2[%get3A_9, %get3A_10] : memref<1x128xf32, #tpu.memory_space<vmem>>, vector<1x128xf32>
    %add3A_12 = vector.broadcast %get3A_11 : vector<1x128xf32> to vector<2000x128xf32>
    %add3A_13 = arith.addf %add3A, %add3A_12 : vector<2000x128xf32>
    %swap3A = arith.constant 0 : index
    %swap3A_14 = arith.constant 0 : index
    %swap3A_15 = vector.load %arg3[%swap3A, %swap3A_14] : memref<2000x128xf32, #tpu.memory_space<vmem>>, vector<2000x128xf32>
    tpu.vector_store %arg3[%swap3A, %swap3A_14], %add3A_13 {strides = array<i32>} : memref<2000x128xf32, #tpu.memory_space<vmem>>, vector<2000x128xf32>,
    return
  }
  func.func @transform_0(%arg0: i32) -> (i32, i32, i32) {
    %c0_i32 = arith.constant 0 : i32
    %c0_i32_0 = arith.constant 0 : i32
    %c0_i32_1 = arith.constant 0 : i32
    return %c0_i32, %arg0, %c0_i32_0 : i32, i32, i32
  }
  func.func @transform_1(%arg0: i32) -> (i32, i32) {
    %c0_i32 = arith.constant 0 : i32
    %c0_i32_0 = arith.constant 0 : i32
    %c0_i32_1 = arith.constant 0 : i32
    return %c0_i32, %c0_i32_0 : i32, i32
  }
  func.func @transform_2(%arg0: i32) -> (i32, i32) {
    %c0_i32 = arith.constant 0 : i32
    %c0_i32_0 = arith.constant 0 : i32
    return %arg0, %c0_i32 : i32, i32
  }
}

</mosaic_0001>

<sc_bundles>
// kernel: kernel.5.cloned.1.call-start
scs
__scs_entry_jumppad:
0x0: {  	(pc) =	sbr.rel $0x88, $3  }
0x1: {  	(tag) =	ssettag $0x0;
	lr =	simm.s32 $0x1  }
0x2: {  	[smem:$0x3F9D] =	sst lr;
	_ =	strace $0xD0000000  }
0x3: {  	_ = 	snop  }
0x4: {  	_ = 	snop  }
0x5: {  	_ = 	snop  }
0x6: {  	_ = 	snop  }
0x7: {  	_ = 	snop  }
__scs_overlays_trampoline_lowered:
0x8: {  	[smem:$0x3FAC] =	sst s0  }
0x9: {  	[smem:$0x3FAD] =	sst s1  }
0xa: {  	[smem:$0x3FAE] =	sst s2  }
0xb: {  	[smem:$0x3FAF] =	sst s3  }
0xc: {  	[smem:$0x3FB0] =	sst s4  }
0xd: {  	[smem:$0x3FB1] =	sst s5  }
0xe: {  	[smem:$0x3FB2] =	sst s6  }
0xf: {  	[smem:$0x3FB3] =	sst s7  }
0x10: {  	[smem:$0x3FB4] =	sst s8  }
0x11: {  	[smem:$0x3FB5] =	sst s9;
	s0 =	simm.s32 @!p0 $0x0  }
0x12: {  	s1 =	sld [smem:$0x3F9B];
	s0 =	simm.s32 @p0 $0x1  }
0x13: {  	[smem:$0x3FB6] =	sst s0;
	s0 =	simm.s32 @!p1 $0x0  }
0x14: {  	s2 =	sld [smem:$0x3F9A];
	s0 =	simm.s32 @p1 $0x1  }
0x15: {  	[smem:$0x3FB7] =	sst s0;
	s0 =	simm.s32 @!p2 $0x0  }
0x16: {  	s3 =	sld [smem:$0x3FDB];
	s0 =	simm.s32 @p2 $0x1  }
0x17: {  	s4 =	simm.s32 $0x1BF5;
	[smem:$0x3FB9] =	sst s0  }
0x18: {  	s0 =	sld [smem:$0x3F9C];
	_ =	swait.ge [sflag:s4], $0x0  }
0x19: {  	s7 =	sld [smem:$0x3F9D]  }
0x1a: {  	s8 =	sadd.s32 $0xFFFFE003, lr  }
0x1b: {  	s9 =	sadd.s32 $0xFFFFFEF7, lr;
	s5 =	simm.s32 $0xFFFFFFFF;
	p2 =	slt.u32 s8, $0xFFFFF086  }
0x1c: {  	p1 =	slt.u32 s9, $0xF7A;
	s5 =	simm.s32 @!p2 $0x0  }
0x1d: {  	s5 =	simm.s32 @p1 $0x1;
	p0 =	seq.s32 s7, s2  }
0x1e: {  	s7 =	smul.u32 @!p0 $0xF7A, s2;
	p2 =	seq.s32 @!p0 s5, $0x0  }
0x1f: {  	s9 =	smul.u32 $0xF7A, s1;
	s8 =	simm.s32 @!p0 $0x1BF5;
	p2 =	por !p2, p0  }
0x20: {  	[sflag:s8] =	ssyncset.s32 @!p0 $0xFFFFF086;
	s6 =	sadd.s32 @!p0 s3, s7;
	s7 =	simm.s32 @!p0 $0x108  }
0x21: {  	s3 =	sadd.s32 s3, s9;
	s6 =	sadd.s32 @!p0 $0x88, s6;
	s7 =	simm.s32 @p2 $0x1082  }
0x22: {  	[simem:s7], [sflag:s8] =	dma.local @!p0 [hbm:s6], $0xF7A  }
0x23: {  	s9 =	sor.u32 $0xD0000000, s2;
	s6 =	simm.s32 $0x108;
	_ =	swait.ge @!p0 [sflag:s8], $0x0  }
0x24: {  	s3 =	sadd.s32 $0x88, s3;
	s6 =	simm.s32 @!p1 $0x1082;
	[sflag:s4] =	ssyncset.s32 $0xFFFFF086  }
0x25: {  	[simem:s6], [sflag:s4] =	dma.local [hbm:s3], $0xF7A  }
0x26: {  	[smem:$0x3F9D] =	sst s1;
	(tag) =	ssettag s2;
	_ =	strace s9  }
0x27: {  	s1 =	sld [smem:$0x3FAD]  }
0x28: {  	s2 =	sld [smem:$0x3FAE]  }
0x29: {  	s4 =	sld [smem:$0x3FB0]  }
0x2a: {  	p0 =	seq.s32 s5, $0x0;
	s5 =	sld [smem:$0x3FB1]  }
0x2b: {  	s6 =	sld [smem:$0x3FB2]  }
0x2c: {  	s7 =	sld [smem:$0x3FB3]  }
0x2d: {  	s3 =	simm.s32 $0x108;
	s8 =	sld [smem:$0x3FB4]  }
0x2e: {  	s3 =	simm.s32 @!p0 $0x1082;
	s9 =	sld [smem:$0x3FB5]  }
0x2f: {  	lr =	sadd.s32 s0, s3;
	s0 =	sld [smem:$0x3FAC]  }
0x30: {  	s3 =	sld [smem:$0x3FAF]  }
0x31: {  	[smem:$0x3FB8] =	sst s10  }
0x32: {  	s10 =	sld [smem:$0x3FB6];
	_ =	sdelay $0x3  }
0x33: {  	p0 =	seq.s32 s10, $0x1;
	s10 =	sld [smem:$0x3FB8];
	_ =	sdelay $0x3  }
0x34: {  	[smem:$0x3FB8] =	sst s10  }
0x35: {  	s10 =	sld [smem:$0x3FB7];
	_ =	sdelay $0x3  }
0x36: {  	p1 =	seq.s32 s10, $0x1;
	s10 =	sld [smem:$0x3FB8];
	_ =	sdelay $0x3  }
0x37: {  	[smem:$0x3FB8] =	sst s10  }
0x38: {  	s10 =	sld [smem:$0x3FB9]  }
0x39: {  	_ = 	snop;
	(pc) =	sbr.ind lr, $3  }
0x3a: {  	_ = 	snop  }
0x3b: {  	_ = 	snop  }
0x3c: {  	p2 =	seq.s32 s10, $0x1;
	s10 =	sld [smem:$0x3FB8]  }
0x3d: {  	_ =	shalt  }
0x3e: {  	_ =	shalt  }
0x3f: {  	_ =	shalt  }
0x40: {  	_ =	shalt  }
0x41: {  	_ =	shalt  }
0x42: {  	_ =	shalt  }
0x43: {  	_ =	shalt  }
0x44: {  	_ =	shalt  }
0x45: {  	_ =	shalt  }
0x46: {  	_ =	shalt  }
0x47: {  	_ =	shalt  }
0x48: {  	_ =	shalt  }
0x49: {  	_ =	shalt  }
0x4a: {  	_ =	shalt  }
0x4b: {  	_ =	shalt  }
0x4c: {  	_ =	shalt  }
0x4d: {  	_ =	shalt  }
0x4e: {  	_ =	shalt  }
0x4f: {  	_ =	shalt  }
0x50: {  	_ =	shalt  }
0x51: {  	_ =	shalt  }
0x52: {  	_ =	shalt  }
0x53: {  	_ =	shalt  }
0x54: {  	_ =	shalt  }
0x55: {  	_ =	shalt  }
0x56: {  	_ =	shalt  }
0x57: {  	_ =	shalt  }
0x58: {  	_ =	shalt  }
0x59: {  	_ =	shalt  }
0x5a: {  	_ =	shalt  }
0x5b: {  	_ =	shalt  }
0x5c: {  	_ =	shalt  }
0x5d: {  	_ =	shalt  }
0x5e: {  	_ =	shalt  }
0x5f: {  	_ =	shalt  }
0x60: {  	_ =	shalt  }
0x61: {  	_ =	shalt  }
0x62: {  	_ =	shalt  }
0x63: {  	_ =	shalt  }
0x64: {  	_ =	shalt  }
0x65: {  	_ =	shalt  }
0x66: {  	_ =	shalt  }
0x67: {  	_ =	shalt  }
0x68: {  	_ =	shalt  }
0x69: {  	_ =	shalt  }
0x6a: {  	_ =	shalt  }
0x6b: {  	_ =	shalt  }
0x6c: {  	_ =	shalt  }
0x6d: {  	_ =	shalt  }
0x6e: {  	_ =	shalt  }
0x6f: {  	_ =	shalt  }
0x70: {  	_ =	shalt  }
0x71: {  	_ =	shalt  }
0x72: {  	_ =	shalt  }
0x73: {  	_ =	shalt  }
0x74: {  	_ =	shalt  }
0x75: {  	_ =	shalt  }
0x76: {  	_ =	shalt  }
0x77: {  	_ =	shalt  }
0x78: {  	_ =	shalt  }
0x79: {  	_ =	shalt  }
0x7a: {  	_ =	shalt  }
0x7b: {  	_ =	shalt  }
0x7c: {  	_ =	shalt  }
0x7d: {  	_ =	shalt  }
0x7e: {  	_ =	shalt  }
0x7f: {  	_ =	shalt  }
0x80: {  	_ =	shalt  }
0x81: {  	_ =	shalt  }
0x82: {  	_ =	shalt  }
0x83: {  	_ =	shalt  }
0x84: {  	_ =	shalt  }
0x85: {  	_ =	shalt  }
0x86: {  	_ =	shalt  }
0x87: {  	_ =	shalt  }
.Lfunc_end0:
.L_simem_size_0:
called_computation_lowered:
.L_overlay_start_0:
0x88: {  	s2 =	sld [smem:$0x3FD9]  }
0x89: {  	s3 =	sld [smem:$0x3FFE];
	_ =	sdelay $0x1  }
0x8a: {  	s1 =	srdreg.scid  }
0x8b: {  	s0 =	sand.u32 $0x1, s1  }
0x8c: {  	s17 =	sshll.u32 s0, $0xA;
	s2 =	sadd.s32 s3, s2  }
0x8d: {  	s2 =	sadd.s32 s2, s17  }
0x8e: {  	[smem:$0x3FC4] =	sst s2  }
0x8f: {  	_ = 	snop  }
0x90: {  	s2 =	sld [smem:$0x3FD0];
	(tm) =	ssettm $0x1  }
0x91: {  	s18 =	sld [smem:$0x3FFB];
	_ =	sdelay $0x3  }
0x92: {  	_ =	strace s18  }
0x93: {  	s3 =	sld [smem:$0x3FFC];
	_ =	sdelay $0x3  }
0x94: {  	_ =	strace s3  }
0x95: {  	s3 =	sld [smem:$0x3FFD];
	_ =	sdelay $0x3  }
0x96: {  	_ =	strace s3  }
0x97: {  	_ =	strace $0x8FFFFFFF  }
0x98: {  	s19 =	sld [smem:$0x3FDB];
	_ =	sdelay $0x1  }
0x99: {  	s4 =	simm.s32 $_scs_section_size  }
0x9a: {  	s5 =	simm.s32 $_size__tile_overlayer_lowered;
	s6 =	simm.s32 $_tile_overlayer_lowered  }
0x9b: {  	s22 =	simm.s32 $0x1BFF;
	s21 =	sshll.u32 s6, $0x1;
	s3 =	sadd.s32 s4, s19  }
0x9c: {  	s7 =	simm.s32 $0x0;
	s20 =	sshll.u32 s5, $0x1;
	s5 =	sadd.s32 s21, s3  }
0x9d: {  	[timem:s7], [sflag:s22] =	dma.local [hbm:s5], s20  }
0x9e: {  	_ =	swait.ge [sflag:s22], s20  }
0x9f: {  	s4 =	ssub.s32 $0x0, s20;
	[sflag:s22] =	ssyncset.done $0x0  }
0xa0: {  	[sflag:s22] =	ssyncadd.s32 s4;
	_ =	sdelay $0x1  }
0xa1: {  	s23 =	simm.s32 $0x1B8B  }
0xa2: {  	_ =	swait.ge [sflag:s23], $0x1  }
0xa3: {  	[sflag:s23] =	ssyncset.done $0x0  }
0xa4: {  	s25 =	simm.s32 $0x1B8E;
	s24 =	sld [smem:$0x3FFE];
	[sflag:s23] =	ssyncadd.s32 $0xFFFFFFFF  }
0xa5: {  	s26 =	simm.s32 $execute0_lowered;
	[smem:$0x3FD2] =	sst s25  }
0xa6: {  	s5 =	sshll.u32 s26, $0x1;
	_ =	strace $0x80000046;
	[dreg:$0x1] =	wrdreg $0xFFFFFFFF  }
0xa7: {  	s28 =	simm.s32 $_size_execute0_lowered;
	s3 =	sadd.s32 s3, s5;
	[dreg:$0x0] =	wrdreg $0x0  }
0xa8: {  	s5 =	sshll.u32 s28, $0x1;
	[dreg:$0x2] =	wrdreg s3  }
0xa9: {  	[dreg:$0x3] =	wrdreg s5  }
0xaa: {  	[dreg:$0x4] =	wrdreg $0xC0  }
0xab: {  	_ =	task [dreg:s7], $0x5FFFF  }
0xac: {  	[dreg:$0x1] =	wrdreg $0xFFFFFFFF  }
0xad: {  	[dreg:$0x0] =	wrdreg $0x60  }
0xae: {  	[dreg:$0x2] =	wrdreg s24  }
0xaf: {  	[dreg:$0x3] =	wrdreg s2  }
0xb0: {  	[dreg:$0x4] =	wrdreg $0xAC000  }
0xb1: {  	[dreg:$0x5] =	wrdreg $0x9  }
0xb2: {  	_ =	task.clear_ibuf [dreg:s7], $0x6FFFF;
	_ =	strace $0x90000046  }
0xb3: {  	s29 =	simm.s32 $0x9;
	_ =	strace $0x80000048  }
0xb4: {  	_ =	swait.ge [sflag:s29], $0x1  }
0xb5: {  	[sflag:s29] =	ssyncadd.s32 $0xFFFFFFFF  }
0xb6: {  	_ =	strace $0x90000048  }
0xb7: {  	_ =	sfence  }
0xb8: {  	s30 =	sld [smem:$0x0];
	_ =	sdelay $0x2  }
0xb9: {  	s31 =	sshll.u32 s1, $0xD;
	s1 =	sshrl.u32 s1, $0x2  }
0xba: {  	s3 =	sand.u32 $0x4000, s31;
	s1 =	sadd.s32 s1, s30  }
0xbb: {  	s0 =	sor.u32 s3, s0;
	s1 =	sshll.u32 s1, $0x11  }
0xbc: {  	s0 =	sor.u32 s1, s0  }
0xbd: {  	s0 =	sadd.s32 $0x8F2B, s0  }
0xbe: {  	[sflag:s0] =	ssyncadd.remote.s32 $0x1  }
0xbf: {  	_ =	sfence.sel $0xFFFF  }
0xc0: {  	[dreg:$0x0] =	wrdreg $0xFFFFFFFF;
	(pc) =	sbr.abs _section_cstart, $3  }
0xc1: {  	[dreg:$0x1] =	wrdreg $0xFFFFFFFF  }
0xc2: {  	_ =	task.clear_ibuf [dreg:s7], $0x2FFFF;
	_ =	strace $0x9FFFFFFF  }
0xc3: {  	(tm) =	ssettm $0x7FFFFFFF  }
tec
execute0_lowered:
.L_overlay_start_1:
0x0: {  	(tag) =	ssettag $0x1  }
0x1: {  	s6 =	rddreg [dreg:$0x0]  }
0x2: {  	s7 =	rddreg [dreg:$0x1]  }
0x3: {  	s0 =	srdreg.scid;
	s2 =	rddreg [dreg:$0x2];
	s3 =	simm.s32 $0x0  }
0x4: {  	s16 =	simm.s32 $0x1800;
	s17 =	simm.s32 $0x2C00;
	s18 =	simm.s32 $0x1  }
0x5: {  	s19 =	simm.s32 $0x2;
	s20 =	simm.s32 $0x80;
	s21 =	simm.s32 $0x6C00  }
0x6: {  	s22 =	simm.s32 $0x3;
	s5 =	sand.u32 $0x1, s0;
	s0 =	stileid.u32  }
0x7: {  	s23 =	simm.s32 $0x0;
	[smem:$0x7FF] =	sst s3;
	s10 =	smul.u32 $0x140000, s5  }
0x8: {  	s4 =	sadd.s32 $0xAA00, s6;
	s1 =	sshll.u32 s5, $0x4;
	s11 =	smul.u32 $0x14000, s0  }
0x9: {  	s28 =	smul.u32 $0x50000, s0;
	s5 =	ssub.s32 $0x2, s5;
	s8 =	sor.u32 s0, s1  }
0xa: {  	s1 =	rddreg [dreg:$0x3];
	_ =	strace $0x80000047;
	s9 =	smul.u32 $0x2800, s8  }
0xb: {  	s29 =	sshrl.u32 s5, $0x1;
	s8 =	smul.u32 $0x3000, s8;
	s30 =	sshrl.u32 s28, $0x2  }
0xc: {  	s26 =	sadd.s32 s11, s10;
	s15 =	ssub.s32 s5, s29;
	s5 =	sadd.s32 s30, s2  }
0xd: {  	s15 =	smax.u32 s15, $0x1;
	s9 =	sshrl.u32 s9, $0x3;
	s31 =	sshrl.u32 s8, $0x3  }
0xe: {  	s8 =	sadd.s32 $0x4000, s5;
	s13 =	sadd.s32 s9, s6;
	s9 =	sshrl.u32 s26, $0x3  }
0xf: {  	s10 =	sadd.s32 $0xC000, s5;
	s11 =	sadd.s32 $0x10000, s5;
	s14 =	sadd.s32 s9, s6  }
0x10: {  	s6 =	sadd.s32 s7, s31;
	s7 =	sadd.s32 $0xA00, s13;
	s9 =	sadd.s32 $0x8000, s5  }
0x11: {  	v0 =	vimm.f32 $0.0e+00;
	s13 =	sadd.s32 $0xC80, s13;
	s12 =	sadd.s32 $0x300, s6;
	s14 =	sadd.s32 $0x429600, s14  }
.LBB2_1:
0x12: {  	[tilespmem:s3], [sflag:$0x2] =	stream.linear.gather [hbm4b:s6+s3], $0x1480, $0x38;
	[tilespmem:$0x1EC00] =	vst v63  }
0x13: {  	s24 =	simm.s32 $0x0;
	s25 =	simm.s32 $0x200  }
0x14: {  	[tilespmem:s16], [sflag:$0x2] =	stream.linear.gather [hbm4b:s7+s3], $0x1400, $0x38;
	[tilespmem:$0x1EC00] =	vst v63  }
.LBB2_2:
0x15: {  	p0 =	sne.s32 s25, $0xFE00;
	[tilespmem:s24+$0x2C70] =	vst v0  }
0x16: {  	[tilespmem:s24+$0x2C00] =	vst v0  }
0x17: {  	[tilespmem:s24+$0x2C10] =	vst v0  }
.Ltmp0:
0x18: {  	[tilespmem:s24+$0x2C20] =	vst v0;
	(pc) =	sbr.rel @p0 .LBB2_2-.Ltmp0, $4  }
0x19: {  	[tilespmem:s24+$0x2C30] =	vst v0  }
0x1a: {  	[tilespmem:s24+$0x2C40] =	vst v0  }
0x1b: {  	[tilespmem:s24+$0x2C50] =	vst v0  }
0x1c: {  	[tilespmem:s24+$0x2C60] =	vst v0;
	s24 =	sshra.s32 s25, $0x2;
	s25 =	sadd.s32 $0x200, s25  }
0x1d: {  	[tilespmem:s24+$0x2C70] =	vst v0  }
0x1e: {  	[tilespmem:s24+$0x2C00] =	vst v0  }
0x1f: {  	[tilespmem:s24+$0x2C10] =	vst v0  }
0x20: {  	[tilespmem:s24+$0x2C20] =	vst v0  }
0x21: {  	[tilespmem:s24+$0x2C30] =	vst v0  }
0x22: {  	[tilespmem:s24+$0x2C40] =	vst v0  }
0x23: {  	[tilespmem:s24+$0x2C50] =	vst v0  }
0x24: {  	[tilespmem:s24+$0x2C60] =	vst v0  }
0x25: {  	[spmem:s5] =	stream.linear.scatter [tilespmem:s17], [sflag:$0x1], $0x4000, $0x38;
	[tilespmem:$0x1EC00] =	vst v63  }
0x26: {  	_ = 	snop  }
0x27: {  	[spmem:s8] =	stream.linear.scatter [tilespmem:s17], [sflag:$0x1], $0x4000, $0x38;
	[tilespmem:$0x1EC00] =	vst v63  }
0x28: {  	_ = 	snop  }
0x29: {  	[spmem:s9] =	stream.linear.scatter [tilespmem:s17], [sflag:$0x1], $0x4000, $0x38;
	[tilespmem:$0x1EC00] =	vst v63  }
0x2a: {  	_ = 	snop  }
0x2b: {  	[spmem:s10] =	stream.linear.scatter [tilespmem:s17], [sflag:$0x1], $0x4000, $0x38;
	[tilespmem:$0x1EC00] =	vst v63  }
0x2c: {  	_ = 	snop  }
0x2d: {  	[spmem:s11] =	stream.linear.scatter [tilespmem:s17], [sflag:$0x1], $0x4000, $0x38;
	[tilespmem:$0x1EC00] =	vst v63  }
0x2e: {  	_ =	swait.ge [sflag:s18], $0x4000  }
0x2f: {  	[sflag:s18] =	ssyncset.done $0x0  }
0x30: {  	[sflag:s18] =	ssyncadd.s32 $0xFFFFC000  }
0x31: {  	_ =	swait.ge [sflag:s18], $0x4000  }
0x32: {  	[sflag:s18] =	ssyncset.done $0x0  }
0x33: {  	[sflag:s18] =	ssyncadd.s32 $0xFFFFC000  }
0x34: {  	_ =	swait.ge [sflag:s18], $0x4000  }
0x35: {  	[sflag:s18] =	ssyncset.done $0x0  }
0x36: {  	[sflag:s18] =	ssyncadd.s32 $0xFFFFC000  }
0x37: {  	_ =	swait.ge [sflag:s18], $0x4000  }
0x38: {  	[sflag:s18] =	ssyncset.done $0x0  }
0x39: {  	[sflag:s18] =	ssyncadd.s32 $0xFFFFC000  }
0x3a: {  	_ =	swait.ge [sflag:s18], $0x4000  }
0x3b: {  	[sflag:s18] =	ssyncset.done $0x0  }
0x3c: {  	[sflag:s18] =	ssyncadd.s32 $0xFFFFC000  }
0x3d: {  	_ =	swait.ge [sflag:s19], $0x1480  }
0x3e: {  	[sflag:s19] =	ssyncset.done $0x0  }
0x3f: {  	[sflag:s19] =	ssyncadd.s32 $0xFFFFEB80  }
0x40: {  	_ =	swait.ge [sflag:s19], $0x1400  }
0x41: {  	[sflag:s19] =	ssyncset.done $0x0  }
0x42: {  	[sflag:s19] =	ssyncadd.s32 $0xFFFFEC00  }
0x43: {  	s26 =	simm.s32 $0x0;
	[bflag:$0x0] =	sbarrier.arrive $0xFFFF  }
0x44: {  	[tilespmem:s17], [sflag:$0x1] =	stream.indirect.gather [hbm4b:s4+s20], $0x80, s26, s20, $0xb8;
	[tilespmem:$0x1EC00] =	vst v63  }
0x45: {  	s28 =	simm.s32 $0x80  }
0x46: {  	[tilespmem:s21], [sflag:$0x2] =	stream.indirect.gather [hbm4b:s4+s20], $0x80, s28, s20, $0xb8;
	[tilespmem:$0x1EC00] =	vst v63  }
0x47: {  	_ =	swait.ge [sflag:s18], $0x4000  }
0x48: {  	[sflag:s18] =	ssyncset.done $0x0  }
0x49: {  	s29 =	simm.s32 $0x1800;
	[sflag:s18] =	ssyncadd.s32 $0xFFFFC000  }
0x4a: {  	[spmem:s2] =	stream.indirect.scatter.add.f32 [tilespmem:s17], [sflag:$0x3], $0x80, s29, s20, $0xb8;
	[tilespmem:$0x1EC00] =	vst v63  }
0x4b: {  	_ =	swait.ge [sflag:s22], $0x4000  }
0x4c: {  	[sflag:s22] =	ssyncset.done $0x0  }
0x4d: {  	s30 =	simm.s32 $0x100;
	[sflag:s22] =	ssyncadd.s32 $0xFFFFC000  }
0x4e: {  	[tilespmem:s17], [sflag:$0x1] =	stream.indirect.gather [hbm4b:s4+s20], $0x80, s30, s20, $0xb8;
	[tilespmem:$0x1EC00] =	vst v63  }
0x4f: {  	_ =	swait.ge [sflag:s19], $0x4000  }
0x50: {  	[sflag:s19] =	ssyncset.done $0x0  }
0x51: {  	s31 =	simm.s32 $0x1880;
	[sflag:s19] =	ssyncadd.s32 $0xFFFFC000  }
0x52: {  	[spmem:s2] =	stream.indirect.scatter.add.f32 [tilespmem:s21], [sflag:$0x3], $0x80, s31, s20, $0xb8;
	[tilespmem:$0x1EC00] =	vst v63  }
0x53: {  	_ =	swait.ge [sflag:s22], $0x4000  }
0x54: {  	s25 =	simm.s32 $0x800;
	s24 =	simm.s32 $0x100;
	[sflag:s22] =	ssyncset.done $0x0  }
.LBB2_4:
0x55: {  	s26 =	sadd.s32 $0x80, s24  }
0x56: {  	[sflag:s22] =	ssyncadd.s32 $0xFFFFC000;
	s28 =	smov.u32 s25;
	s29 =	sadd.s32 $0x400, s25  }
0x57: {  	[tilespmem:s21], [sflag:$0x2] =	stream.indirect.gather [hbm4b:s4+s20], $0x80, s26, s20, $0xb8;
	[tilespmem:$0x1EC00] =	vst v63  }
0x58: {  	p0 =	sne.s32 s25, $0x4C00;
	_ =	swait.ge [sflag:s18], $0x4000  }
0x59: {  	[sflag:s18] =	ssyncset.done $0x0  }
0x5a: {  	s25 =	sadd.s32 $0x1800, s24;
	[sflag:s18] =	ssyncadd.s32 $0xFFFFC000  }
0x5b: {  	[spmem:s2] =	stream.indirect.scatter.add.f32 [tilespmem:s17], [sflag:$0x3], $0x80, s25, s20, $0xb8;
	[tilespmem:$0x1EC00] =	vst v63  }
0x5c: {  	_ =	swait.ge [sflag:s22], $0x4000  }
0x5d: {  	[sflag:s22] =	ssyncset.done $0x0  }
0x5e: {  	s25 =	sadd.s32 $0x100, s24;
	[sflag:s22] =	ssyncadd.s32 $0xFFFFC000  }
0x5f: {  	[tilespmem:s17], [sflag:$0x1] =	stream.indirect.gather [hbm4b:s4+s20], $0x80, s25, s20, $0xb8;
	[tilespmem:$0x1EC00] =	vst v63  }
0x60: {  	_ =	swait.ge [sflag:s19], $0x4000  }
.Ltmp1:
0x61: {  	[sflag:s19] =	ssyncset.done $0x0;
	(pc) =	sbr.rel @p0 .LBB2_4-.Ltmp1, $4  }
0x62: {  	s24 =	sadd.s32 $0x1880, s24;
	[sflag:s19] =	ssyncadd.s32 $0xFFFFC000  }
0x63: {  	[spmem:s2] =	stream.indirect.scatter.add.f32 [tilespmem:s21], [sflag:$0x3], $0x80, s24, s20, $0xb8;
	[tilespmem:$0x1EC00] =	vst v63  }
0x64: {  	_ =	swait.ge [sflag:s22], $0x4000  }
0x65: {  	s25 =	smov.u32 s29;
	s24 =	sshra.s32 s28, $0x2;
	[sflag:s22] =	ssyncset.done $0x0  }
0x66: {  	s25 =	sadd.s32 $0x80, s24;
	[sflag:s22] =	ssyncadd.s32 $0xFFFFC000  }
0x67: {  	[tilespmem:s21], [sflag:$0x2] =	stream.indirect.gather [hbm4b:s4+s20], $0x80, s25, s20, $0xb8;
	[tilespmem:$0x1EC00] =	vst v63  }
0x68: {  	_ =	swait.ge [sflag:s18], $0x4000  }
0x69: {  	[sflag:s18] =	ssyncset.done $0x0  }
0x6a: {  	s30 =	sadd.s32 $0x1800, s24;
	[sflag:s18] =	ssyncadd.s32 $0xFFFFC000  }
0x6b: {  	[spmem:s2] =	stream.indirect.scatter.add.f32 [tilespmem:s17], [sflag:$0x3], $0x80, s30, s20, $0xb8;
	[tilespmem:$0x1EC00] =	vst v63  }
0x6c: {  	_ =	swait.ge [sflag:s22], $0x4000  }
0x6d: {  	[sflag:s22] =	ssyncset.done $0x0  }
0x6e: {  	s31 =	sadd.s32 $0x100, s24;
	[sflag:s22] =	ssyncadd.s32 $0xFFFFC000  }
0x6f: {  	[tilespmem:s17], [sflag:$0x1] =	stream.indirect.gather [hbm4b:s4+s20], $0x80, s31, s20, $0xb8;
	[tilespmem:$0x1EC00] =	vst v63  }
0x70: {  	_ =	swait.ge [sflag:s19], $0x4000  }
0x71: {  	[sflag:s19] =	ssyncset.done $0x0  }
0x72: {  	s25 =	sadd.s32 $0x1880, s24;
	[sflag:s19] =	ssyncadd.s32 $0xFFFFC000  }
0x73: {  	[spmem:s2] =	stream.indirect.scatter.add.f32 [tilespmem:s21], [sflag:$0x3], $0x80, s25, s20, $0xb8;
	[tilespmem:$0x1EC00] =	vst v63  }
0x74: {  	_ =	swait.ge [sflag:s22], $0x4000  }
0x75: {  	[sflag:s22] =	ssyncset.done $0x0  }
0x76: {  	[sflag:s22] =	ssyncadd.s32 $0xFFFFC000  }
0x77: {  	_ =	swait.ge [sflag:s18], $0x4000  }
0x78: {  	[sflag:s18] =	ssyncset.done $0x0  }
0x79: {  	s26 =	simm.s32 $0x0;
	[sflag:s18] =	ssyncadd.s32 $0xFFFFC000  }
0x7a: {  	[tilespmem:s26], [sflag:$0x3] =	stream.linear.gather [hbm4b:s12+s26], $0x1480, $0x38;
	[tilespmem:$0x1EC00] =	vst v63  }
0x7b: {  	_ =	swait.ge [sflag:s22], $0x1480  }
0x7c: {  	[sflag:s22] =	ssyncset.done $0x0  }
0x7d: {  	[sflag:s22] =	ssyncadd.s32 $0xFFFFEB80  }
0x7e: {  	[tilespmem:s16], [sflag:$0x3] =	stream.linear.gather [hbm4b:s13+s26], $0x1400, $0x38;
	[tilespmem:$0x1EC00] =	vst v63  }
0x7f: {  	_ =	swait.ge [sflag:s22], $0x1400  }
0x80: {  	[sflag:s22] =	ssyncset.done $0x0  }
0x81: {  	[sflag:s22] =	ssyncadd.s32 $0xFFFFEC00  }
0x82: {  	[tilespmem:s17], [sflag:$0x1] =	stream.indirect.gather [hbm4b:s4+s20], $0x80, s26, s20, $0xb8;
	[tilespmem:$0x1EC00] =	vst v63  }
0x83: {  	s28 =	simm.s32 $0x80  }
0x84: {  	[tilespmem:s21], [sflag:$0x2] =	stream.indirect.gather [hbm4b:s4+s20], $0x80, s28, s20, $0xb8;
	[tilespmem:$0x1EC00] =	vst v63  }
0x85: {  	_ =	swait.ge [sflag:s18], $0x4000  }
0x86: {  	[sflag:s18] =	ssyncset.done $0x0  }
0x87: {  	s29 =	simm.s32 $0x1800;
	[sflag:s18] =	ssyncadd.s32 $0xFFFFC000  }
0x88: {  	[spmem:s2] =	stream.indirect.scatter.add.f32 [tilespmem:s17], [sflag:$0x3], $0x80, s29, s20, $0xb8;
	[tilespmem:$0x1EC00] =	vst v63  }
0x89: {  	_ =	swait.ge [sflag:s22], $0x4000  }
0x8a: {  	[sflag:s22] =	ssyncset.done $0x0  }
0x8b: {  	s30 =	simm.s32 $0x100;
	[sflag:s22] =	ssyncadd.s32 $0xFFFFC000  }
0x8c: {  	[tilespmem:s17], [sflag:$0x1] =	stream.indirect.gather [hbm4b:s4+s20], $0x80, s30, s20, $0xb8;
	[tilespmem:$0x1EC00] =	vst v63  }
0x8d: {  	_ =	swait.ge [sflag:s19], $0x4000  }
0x8e: {  	[sflag:s19] =	ssyncset.done $0x0  }
0x8f: {  	s31 =	simm.s32 $0x1880;
	[sflag:s19] =	ssyncadd.s32 $0xFFFFC000  }
0x90: {  	[spmem:s2] =	stream.indirect.scatter.add.f32 [tilespmem:s21], [sflag:$0x3], $0x80, s31, s20, $0xb8;
	[tilespmem:$0x1EC00] =	vst v63  }
0x91: {  	_ =	swait.ge [sflag:s22], $0x4000  }
0x92: {  	s24 =	simm.s32 $0x100;
	s25 =	simm.s32 $0x800;
	[sflag:s22] =	ssyncset.done $0x0  }
.LBB2_6:
0x93: {  	s26 =	sadd.s32 $0x80, s24  }
0x94: {  	[sflag:s22] =	ssyncadd.s32 $0xFFFFC000;
	s28 =	smov.u32 s25;
	s29 =	sadd.s32 $0x400, s25  }
0x95: {  	[tilespmem:s21], [sflag:$0x2] =	stream.indirect.gather [hbm4b:s4+s20], $0x80, s26, s20, $0xb8;
	[tilespmem:$0x1EC00] =	vst v63  }
0x96: {  	p0 =	sne.s32 s25, $0x4C00;
	_ =	swait.ge [sflag:s18], $0x4000  }
0x97: {  	[sflag:s18] =	ssyncset.done $0x0  }
0x98: {  	s25 =	sadd.s32 $0x1800, s24;
	[sflag:s18] =	ssyncadd.s32 $0xFFFFC000  }
0x99: {  	[spmem:s2] =	stream.indirect.scatter.add.f32 [tilespmem:s17], [sflag:$0x3], $0x80, s25, s20, $0xb8;
	[tilespmem:$0x1EC00] =	vst v63  }
0x9a: {  	_ =	swait.ge [sflag:s22], $0x4000  }
0x9b: {  	[sflag:s22] =	ssyncset.done $0x0  }
0x9c: {  	s25 =	sadd.s32 $0x100, s24;
	[sflag:s22] =	ssyncadd.s32 $0xFFFFC000  }
0x9d: {  	[tilespmem:s17], [sflag:$0x1] =	stream.indirect.gather [hbm4b:s4+s20], $0x80, s25, s20, $0xb8;
	[tilespmem:$0x1EC00] =	vst v63  }
0x9e: {  	_ =	swait.ge [sflag:s19], $0x4000  }
.Ltmp2:
0x9f: {  	[sflag:s19] =	ssyncset.done $0x0;
	(pc) =	sbr.rel @p0 .LBB2_6-.Ltmp2, $4  }
0xa0: {  	s24 =	sadd.s32 $0x1880, s24;
	[sflag:s19] =	ssyncadd.s32 $0xFFFFC000  }
0xa1: {  	[spmem:s2] =	stream.indirect.scatter.add.f32 [tilespmem:s21], [sflag:$0x3], $0x80, s24, s20, $0xb8;
	[tilespmem:$0x1EC00] =	vst v63  }
0xa2: {  	_ =	swait.ge [sflag:s22], $0x4000  }
0xa3: {  	s25 =	smov.u32 s29;
	s24 =	sshra.s32 s28, $0x2;
	[sflag:s22] =	ssyncset.done $0x0  }
0xa4: {  	s25 =	sadd.s32 $0x80, s24;
	[sflag:s22] =	ssyncadd.s32 $0xFFFFC000  }
0xa5: {  	[tilespmem:s21], [sflag:$0x2] =	stream.indirect.gather [hbm4b:s4+s20], $0x80, s25, s20, $0xb8;
	[tilespmem:$0x1EC00] =	vst v63  }
0xa6: {  	_ =	swait.ge [sflag:s18], $0x4000  }
0xa7: {  	[sflag:s18] =	ssyncset.done $0x0  }
0xa8: {  	s26 =	sadd.s32 $0x1800, s24;
	[sflag:s18] =	ssyncadd.s32 $0xFFFFC000  }
0xa9: {  	[spmem:s2] =	stream.indirect.scatter.add.f32 [tilespmem:s17], [sflag:$0x3], $0x80, s26, s20, $0xb8;
	[tilespmem:$0x1EC00] =	vst v63  }
0xaa: {  	_ =	swait.ge [sflag:s22], $0x4000  }
0xab: {  	[sflag:s22] =	ssyncset.done $0x0  }
0xac: {  	s28 =	sadd.s32 $0x100, s24;
	[sflag:s22] =	ssyncadd.s32 $0xFFFFC000  }
0xad: {  	[tilespmem:s17], [sflag:$0x1] =	stream.indirect.gather [hbm4b:s4+s20], $0x80, s28, s20, $0xb8;
	[tilespmem:$0x1EC00] =	vst v63  }
0xae: {  	_ =	swait.ge [sflag:s19], $0x4000  }
0xaf: {  	[sflag:s19] =	ssyncset.done $0x0  }
0xb0: {  	s29 =	sadd.s32 $0x1880, s24;
	[sflag:s19] =	ssyncadd.s32 $0xFFFFC000  }
0xb1: {  	[spmem:s2] =	stream.indirect.scatter.add.f32 [tilespmem:s21], [sflag:$0x3], $0x80, s29, s20, $0xb8;
	[tilespmem:$0x1EC00] =	vst v63  }
0xb2: {  	_ =	swait.ge [sflag:s22], $0x4000  }
0xb3: {  	[sflag:s22] =	ssyncset.done $0x0  }
0xb4: {  	[sflag:s22] =	ssyncadd.s32 $0xFFFFC000  }
0xb5: {  	_ =	swait.ge [sflag:s18], $0x4000  }
0xb6: {  	s30 =	sshll.u32 s0, $0x6;
	s23 =	sadd.s32 $0x1, s23;
	[sflag:s18] =	ssyncset.done $0x0  }
0xb7: {  	s31 =	sshrl.u32 s5, $0x3;
	p0 =	sne.s32 s23, s15;
	[sflag:s18] =	ssyncadd.s32 $0xFFFFC000  }
.Ltmp3:
0xb8: {  	s24 =	sor.u32 $0x1C03, s30;
	[bflag:$0x0] =	sbarrier.arrive $0xFFFF;
	(pc) =	sbr.rel @p0 .LBB2_1-.Ltmp3, $4  }
0xb9: {  	[hbm:s14], [sflag:s24] =	dma.local [spmem:s31], $0x2800  }
0xba: {  	_ =	swait.ge [sflag:s22], $0x2800  }
0xbb: {  	[sflag:s22] =	ssyncset.done $0x0  }
0xbc: {  	[sflag:s22] =	ssyncadd.s32 $0xFFFFD800  }
0xbd: {  	_ =	sfence.sel $0x180000  }
0xbe: {  	[bflag:$0x0] =	sbarrier.arrive $0xFFFF  }
0xbf: {  	p0 =	sne.s32 s0, $0x0;
	_ =	strace $0x90000047  }
0xc0: {  	s0 =	sadd.s32 @!p0 $0x100000, s1;
	[bflag:$0x2] =	sbarrier.arrive $0xFFFF  }
0xc1: {  	[sflag:s0] =	ssyncadd.tile.s32 @!p0 $0x1;
	_ =	shalt  }
.Lfunc_end2:
_tile_overlayer_lowered:
.L_overlay_start_2:
0xc2: {  	(tag) =	ssettag $0x2  }
0xc3: {  	s0 =	rddreg [dreg:$0x0];
	s2 =	stileid.u32  }
0xc4: {  	s1 =	rddreg [dreg:$0x1];
	p0 =	sne.s32 s2, $0x0  }
0xc5: {  	s3 =	rddreg [dreg:$0x2];
	[bflag:$0x3] =	sbarrier.arrive $0xFFFF;
	s2 =	simm.s32 @!p0 $0x1C03  }
0xc6: {  	[timem:s3], [sflag:s2] =	dma.local @!p0 [hbm:s0], s1  }
0xc7: {  	s0 =	simm.s32 @!p0 $0x3  }
0xc8: {  	_ =	swait.ge @!p0 [sflag:s0], s1  }
0xc9: {  	s1 =	ssub.s32 @!p0 $0x0, s1;
	[sflag:s0] =	ssyncset.done @!p0 $0x0  }
0xca: {  	[sflag:s0] =	ssyncadd.s32 @!p0 s1  }
0xcb: {  	[bflag:$0x3] =	sbarrier.arrive $0xFFFF  }
0xcc: {  	_ =	shalt  }

</sc_bundles>
